<compile_context>
chip_gen: v7x
topology: tpu7x:2x2x1
jax: 0.10.2.dev20260603
libtpu: 0.0.44.dev20260713+nightly
codegen_flags: <defaults>
</compile_context>

<pallas_src>
import functools

import jax
import jax.numpy as jnp
from jax import lax
from jax.experimental import pallas as pl
from jax.experimental.pallas import tpu as pltpu
from jax.experimental.pallas import tpu_sc as plsc

VOCAB = 1_000_000
D = 128
SEQ = 50
NBATCH = 16384
NW = 32
BPW = NBATCH // NW
CB = 2
NCHUNK = BPW // CB
NB = 4
A = 3
NOUTER = NCHUNK // NB
assert NOUTER * NB == NCHUNK


def _gather_kernel(table_hbm, idx_hbm, out_hbm, idx_full, rows_v, *sems):
    gsems = sems[:NB]
    osems = sems[NB:]
    wid = lax.axis_index("s") * 2 + lax.axis_index("c")
    row0 = wid * BPW

    pltpu.sync_copy(idx_hbm.at[wid], idx_full)

    def start_gather(g, b):
        pltpu.make_async_copy(table_hbm.at[idx_full.at[g]], rows_v.at[b],
                              gsems[b]).start()

    def wait_gather(g, b):
        pltpu.make_async_copy(table_hbm.at[idx_full.at[g]], rows_v.at[b],
                              gsems[b]).wait()

    def start_out(g, b):
        for c in range(CB):
            pltpu.make_async_copy(rows_v.at[b, pl.ds(c * SEQ, SEQ)],
                                  out_hbm.at[row0 + g * CB + c],
                                  osems[b]).start()

    def wait_out(g, b):
        for c in range(CB):
            pltpu.make_async_copy(rows_v.at[b, pl.ds(c * SEQ, SEQ)],
                                  out_hbm.at[row0 + g * CB + c],
                                  osems[b]).wait()

    for g in range(A):
        start_gather(g, g % NB)

    def body(t, carry):
        for b0 in range(NB):
            g = t * NB + b0
            wait_gather(g, b0)
            start_out(g, b0)
            ga = g + A
            ba = (b0 + A) % NB

            @pl.when(ga < NCHUNK)
            def _issue_ahead():
                @pl.when(ga >= NB)
                def _reuse_guard():
                    wait_out(ga - NB, ba)
                start_gather(ga, ba)
        return carry

    lax.fori_loop(0, NOUTER, body, 0)

    for b in range(NB):
        g = NCHUNK - NB + b
        wait_out(g, g % NB)


def kernel(indices, embeddings):
    idx = indices.reshape(NW, NCHUNK, CB * SEQ).astype(jnp.int32)
    mesh = plsc.VectorSubcoreMesh(core_axis_name="c", subcore_axis_name="s")
    run = functools.partial(
        pl.kernel,
        mesh=mesh,
        out_type=jax.ShapeDtypeStruct((NBATCH, SEQ, D), jnp.float32),
        compiler_params=pltpu.CompilerParams(use_tc_tiling_on_sc=True),
        scratch_types=[
            pltpu.VMEM((NCHUNK, CB * SEQ), jnp.int32),
            pltpu.VMEM((NB, CB * SEQ, D), jnp.float32),
        ] + [pltpu.SemaphoreType.DMA] * (2 * NB),
    )(_gather_kernel)
    return run(embeddings, idx)

# --- scband reference (transcript-rebuilt; emitter-appended) ---
"""Pipeline reference for scband-skip-gram-66383014527621 (READ-ONLY COPY).

The authoritative reference and input builder live on the scoring server;
editing this copy changes nothing except your own understanding.
"""

import jax, jax.numpy as jnp
import numpy as np

VOCAB_SIZE = 1000000
EMBEDDING_SIZE = 128

def setup_inputs(seed: int = 0) -> dict:
    key = jax.random.key(seed)
    k1, k2 = jax.random.split(key)
    indices = jax.random.randint(k1, (16384, 50), 0, VOCAB_SIZE, dtype=jnp.int64)
    # learned parameter: embedding table, initializer='random_normal'
    embeddings = jax.random.normal(k2, (VOCAB_SIZE, EMBEDDING_SIZE), dtype=jnp.float32) * 0.05
    return {"indices": indices, "embeddings": embeddings}

def reference(indices, embeddings):
    # SkipGram input-embedding lookup: tf.nn.embedding_lookup(embeddings, indices)
    out = jnp.take(embeddings, indices, axis=0)  # [B, L, D]
    return out

if __name__ == "__main__":
    import jax
    _d = setup_inputs()
    print(jax.jit(kernel)(*tuple(_d.values())))

</pallas_src>

<mosaic_0001>
#map = affine_map<(d0, d1) -> (0, 0)>
#map1 = affine_map<(d0, d1) -> (0, 0, 0)>
module attributes {stable_mosaic.version = 14 : i64} {
  func.func @_gather_kernel(%arg0: i32, %arg1: i32, %arg2: memref<1000000x128xf32, #tpu.memory_space<hbm>>, %arg3: memref<32x256x100xi32, #tpu.memory_space<hbm>>, %arg4: memref<16384x50x128xf32, #tpu.memory_space<hbm>>, %arg5: memref<256x100xi32, #tpu.memory_space<vmem>>, %arg6: memref<4x100x128xf32, #tpu.memory_space<vmem>>, %arg7: memref<!tpu.dma_semaphore, #tpu.memory_space<semaphore_mem>>, %arg8: memref<!tpu.dma_semaphore, #tpu.memory_space<semaphore_mem>>, %arg9: memref<!tpu.dma_semaphore, #tpu.memory_space<semaphore_mem>>, %arg10: memref<!tpu.dma_semaphore, #tpu.memory_space<semaphore_mem>>, %arg11: memref<!tpu.dma_semaphore, #tpu.memory_space<semaphore_mem>>, %arg12: memref<!tpu.dma_semaphore, #tpu.memory_space<semaphore_mem>>, %arg13: memref<!tpu.dma_semaphore, #tpu.memory_space<semaphore_mem>>, %arg14: memref<!tpu.dma_semaphore, #tpu.memory_space<semaphore_mem>>) attributes {dimension_semantics = [#tpu.dimension_semantics<core_parallel>, #tpu.dimension_semantics<subcore_parallel>], iteration_bounds = array<i64: 2, 16>, scalar_prefetch = 0 : i64, scratch_operands = 10 : i64, tpu.core_type = #tpu.core_type<sc_vector_subcore>, window_params = [{transform_indices = #map}, {transform_indices = #map1}, {transform_indices = #map1}]} {
    %mul3A = arith.constant 2 : i32
    %mul3A_0 = arith.muli %arg1, %mul3A : i32
    %add3A = arith.addi %mul3A_0, %arg0 : i32
    %mul3A_1 = arith.constant 512 : i32
    %mul3A_2 = arith.muli %add3A, %mul3A_1 : i32
    "tpu.region"() ({
      %run_scoped3A = tpu.sem_alloc : memref<!tpu.dma_semaphore, #tpu.memory_space<semaphore_mem>>
      %dma_start3A_210 = arith.constant 0 : i32
      %dma_start3A_211 = arith.constant 0 : i32
      %dma_start3A_212 = tpu.memref_slice %arg3[%add3A, %dma_start3A_210, %dma_start3A_211] : memref<32x256x100xi32, #tpu.memory_space<hbm>> -> memref<1x256x100xi32, #tpu.memory_space<hbm>>
      %dma_start3A_213 = tpu.memref_squeeze %dma_start3A_212 : memref<1x256x100xi32, #tpu.memory_space<hbm>> -> memref<256x100xi32, #tpu.memory_space<hbm>>
      %dma_start3A_214 = arith.constant 0 : i32
      %dma_start3A_215 = arith.constant 0 : i32
      %dma_start3A_216 = tpu.memref_slice %arg3[%add3A, %dma_start3A_214, %dma_start3A_215] : memref<32x256x100xi32, #tpu.memory_space<hbm>> -> memref<1x256x100xi32, #tpu.memory_space<hbm>>
      %dma_start3A_217 = tpu.memref_squeeze %dma_start3A_216 : memref<1x256x100xi32, #tpu.memory_space<hbm>> -> memref<256x100xi32, #tpu.memory_space<hbm>>
      tpu.enqueue_dma source(%dma_start3A_217 : memref<256x100xi32, #tpu.memory_space<hbm>>) target(%arg5 : memref<256x100xi32, #tpu.memory_space<vmem>>) target_semaphore(%run_scoped3A : memref<!tpu.dma_semaphore, #tpu.memory_space<semaphore_mem>>)
      %dma_wait3A_218 = arith.constant 0 : i32
      %dma_wait3A_219 = arith.constant 0 : i32
      %dma_wait3A_220 = tpu.memref_slice %arg3[%add3A, %dma_wait3A_218, %dma_wait3A_219] : memref<32x256x100xi32, #tpu.memory_space<hbm>> -> memref<1x256x100xi32, #tpu.memory_space<hbm>>
      %dma_wait3A_221 = tpu.memref_squeeze %dma_wait3A_220 : memref<1x256x100xi32, #tpu.memory_space<hbm>> -> memref<256x100xi32, #tpu.memory_space<hbm>>
      %dma_wait3A_222 = arith.constant 0 : i32
      %dma_wait3A_223 = arith.constant 0 : i32
      %dma_wait3A_224 = tpu.memref_slice %arg3[%add3A, %dma_wait3A_222, %dma_wait3A_223] : memref<32x256x100xi32, #tpu.memory_space<hbm>> -> memref<1x256x100xi32, #tpu.memory_space<hbm>>
      %dma_wait3A_225 = tpu.memref_squeeze %dma_wait3A_224 : memref<1x256x100xi32, #tpu.memory_space<hbm>> -> memref<256x100xi32, #tpu.memory_space<hbm>>
      tpu.wait_dma2 semaphore(%run_scoped3A : memref<!tpu.dma_semaphore, #tpu.memory_space<semaphore_mem>>) src(%dma_wait3A_225 : memref<256x100xi32, #tpu.memory_space<hbm>>) dst(%arg5 : memref<256x100xi32, #tpu.memory_space<vmem>>)
      tpu.yield
    }) : () -> ()
    %dma_start3A = arith.constant 0 : i32
    %dma_start3A_3 = arith.constant 0 : i32
    %dma_start3A_4 = arith.constant 0 : i32
    %dma_start3A_5 = arith.constant 0 : i32
    %dma_start3A_6 = tpu.memref_slice %arg6[%dma_start3A_3, %dma_start3A_4, %dma_start3A_5] : memref<4x100x128xf32, #tpu.memory_space<vmem>> -> memref<1x100x128xf32, #tpu.memory_space<vmem>>
    %dma_start3A_7 = tpu.memref_squeeze %dma_start3A_6 : memref<1x100x128xf32, #tpu.memory_space<vmem>> -> memref<100x128xf32, #tpu.memory_space<vmem>>
    %dma_start3A_8 = arith.constant 0 : i32
    %dma_start3A_9 = tpu.memref_slice %arg5[%dma_start3A, %dma_start3A_8] : memref<256x100xi32, #tpu.memory_space<vmem>> -> memref<1x100xi32, #tpu.memory_space<vmem>>
    %dma_start3A_10 = tpu.memref_squeeze %dma_start3A_9 : memref<1x100xi32, #tpu.memory_space<vmem>> -> memref<100xi32, #tpu.memory_space<vmem>>
    %dma_start3A_11 = arith.constant 0 : i32
    %dma_start3A_12 = arith.constant 0 : i32
    %dma_start3A_13 = tpu.memref_slice %arg2[%dma_start3A_11, %dma_start3A_12] : memref<1000000x128xf32, #tpu.memory_space<hbm>> -> memref<1000000x128xf32, #tpu.memory_space<hbm>>
    tpu.enqueue_indirect_dma source(%dma_start3A_13 : memref<1000000x128xf32, #tpu.memory_space<hbm>>) target(%dma_start3A_7 : memref<100x128xf32, #tpu.memory_space<vmem>>) offsets(%dma_start3A_10 : memref<100xi32, #tpu.memory_space<vmem>>) semaphore(%arg7 : memref<!tpu.dma_semaphore, #tpu.memory_space<semaphore_mem>>)
    %dma_start3A_14 = arith.constant 1 : i32
    %dma_start3A_15 = arith.constant 1 : i32
    %dma_start3A_16 = arith.constant 0 : i32
    %dma_start3A_17 = arith.constant 0 : i32
    %dma_start3A_18 = tpu.memref_slice %arg6[%dma_start3A_15, %dma_start3A_16, %dma_start3A_17] : memref<4x100x128xf32, #tpu.memory_space<vmem>> -> memref<1x100x128xf32, #tpu.memory_space<vmem>>
    %dma_start3A_19 = tpu.memref_squeeze %dma_start3A_18 : memref<1x100x128xf32, #tpu.memory_space<vmem>> -> memref<100x128xf32, #tpu.memory_space<vmem>>
    %dma_start3A_20 = arith.constant 0 : i32
    %dma_start3A_21 = tpu.memref_slice %arg5[%dma_start3A_14, %dma_start3A_20] : memref<256x100xi32, #tpu.memory_space<vmem>> -> memref<1x100xi32, #tpu.memory_space<vmem>>
    %dma_start3A_22 = tpu.memref_squeeze %dma_start3A_21 : memref<1x100xi32, #tpu.memory_space<vmem>> -> memref<100xi32, #tpu.memory_space<vmem>>
    %dma_start3A_23 = arith.constant 0 : i32
    %dma_start3A_24 = arith.constant 0 : i32
    %dma_start3A_25 = tpu.memref_slice %arg2[%dma_start3A_23, %dma_start3A_24] : memref<1000000x128xf32, #tpu.memory_space<hbm>> -> memref<1000000x128xf32, #tpu.memory_space<hbm>>
    tpu.enqueue_indirect_dma source(%dma_start3A_25 : memref<1000000x128xf32, #tpu.memory_space<hbm>>) target(%dma_start3A_19 : memref<100x128xf32, #tpu.memory_space<vmem>>) offsets(%dma_start3A_22 : memref<100xi32, #tpu.memory_space<vmem>>) semaphore(%arg8 : memref<!tpu.dma_semaphore, #tpu.memory_space<semaphore_mem>>)
    %dma_start3A_26 = arith.constant 2 : i32
    %dma_start3A_27 = arith.constant 2 : i32
    %dma_start3A_28 = arith.constant 0 : i32
    %dma_start3A_29 = arith.constant 0 : i32
    %dma_start3A_30 = tpu.memref_slice %arg6[%dma_start3A_27, %dma_start3A_28, %dma_start3A_29] : memref<4x100x128xf32, #tpu.memory_space<vmem>> -> memref<1x100x128xf32, #tpu.memory_space<vmem>>
    %dma_start3A_31 = tpu.memref_squeeze %dma_start3A_30 : memref<1x100x128xf32, #tpu.memory_space<vmem>> -> memref<100x128xf32, #tpu.memory_space<vmem>>
    %dma_start3A_32 = arith.constant 0 : i32
    %dma_start3A_33 = tpu.memref_slice %arg5[%dma_start3A_26, %dma_start3A_32] : memref<256x100xi32, #tpu.memory_space<vmem>> -> memref<1x100xi32, #tpu.memory_space<vmem>>
    %dma_start3A_34 = tpu.memref_squeeze %dma_start3A_33 : memref<1x100xi32, #tpu.memory_space<vmem>> -> memref<100xi32, #tpu.memory_space<vmem>>
    %dma_start3A_35 = arith.constant 0 : i32
    %dma_start3A_36 = arith.constant 0 : i32
    %dma_start3A_37 = tpu.memref_slice %arg2[%dma_start3A_35, %dma_start3A_36] : memref<1000000x128xf32, #tpu.memory_space<hbm>> -> memref<1000000x128xf32, #tpu.memory_space<hbm>>
    tpu.enqueue_indirect_dma source(%dma_start3A_37 : memref<1000000x128xf32, #tpu.memory_space<hbm>>) target(%dma_start3A_31 : memref<100x128xf32, #tpu.memory_space<vmem>>) offsets(%dma_start3A_34 : memref<100xi32, #tpu.memory_space<vmem>>) semaphore(%arg9 : memref<!tpu.dma_semaphore, #tpu.memory_space<semaphore_mem>>)
    %scan3A = arith.constant 0 : i32
    %scan3A_38 = arith.constant 0 : i32
    %scan3A_39 = arith.constant 64 : i32
    %scan3A_40 = arith.addi %scan3A_38, %scan3A_39 : i32
    %scan3A_41 = arith.constant 1 : i32
    scf.for %scan3A_210 = %scan3A_38 to %scan3A_40 step %scan3A_41  : i32 {
      %mul3A_211 = arith.constant 4 : i32
      %mul3A_212 = arith.muli %scan3A_210, %mul3A_211 : i32
      %add3A_213 = arith.constant 0 : i32
      %add3A_214 = arith.addi %mul3A_212, %add3A_213 : i32
      %dma_wait3A_215 = arith.constant 0 : i32
      %dma_wait3A_216 = arith.constant 0 : i32
      %dma_wait3A_217 = arith.constant 0 : i32
      %dma_wait3A_218 = tpu.memref_slice %arg6[%dma_wait3A_215, %dma_wait3A_216, %dma_wait3A_217] : memref<4x100x128xf32, #tpu.memory_space<vmem>> -> memref<1x100x128xf32, #tpu.memory_space<vmem>>
      %dma_wait3A_219 = tpu.memref_squeeze %dma_wait3A_218 : memref<1x100x128xf32, #tpu.memory_space<vmem>> -> memref<100x128xf32, #tpu.memory_space<vmem>>
      %dma_wait3A_220 = arith.constant 0 : i32
      %dma_wait3A_221 = tpu.memref_slice %arg5[%add3A_214, %dma_wait3A_220] : memref<256x100xi32, #tpu.memory_space<vmem>> -> memref<1x100xi32, #tpu.memory_space<vmem>>
      %dma_wait3A_222 = tpu.memref_squeeze %dma_wait3A_221 : memref<1x100xi32, #tpu.memory_space<vmem>> -> memref<100xi32, #tpu.memory_space<vmem>>
      %dma_wait3A_223 = arith.constant 0 : i32
      %dma_wait3A_224 = arith.constant 0 : i32
      %dma_wait3A_225 = tpu.memref_slice %arg2[%dma_wait3A_223, %dma_wait3A_224] : memref<1000000x128xf32, #tpu.memory_space<hbm>> -> memref<1000000x128xf32, #tpu.memory_space<hbm>>
      tpu.wait_indirect_dma semaphore(%arg7 : memref<!tpu.dma_semaphore, #tpu.memory_space<semaphore_mem>>) src(%dma_wait3A_225 : memref<1000000x128xf32, #tpu.memory_space<hbm>>) dst(%dma_wait3A_219 : memref<100x128xf32, #tpu.memory_space<vmem>>)
      %mul3A_226 = arith.constant 2 : i32
      %mul3A_227 = arith.muli %add3A_214, %mul3A_226 : i32
      %add3A_228 = arith.addi %mul3A_2, %mul3A_227 : i32
      %add3A_229 = arith.constant 0 : i32
      %add3A_230 = arith.addi %add3A_228, %add3A_229 : i32
      %dma_start3A_231 = arith.constant 0 : i32
      %dma_start3A_232 = arith.constant 0 : i32
      %dma_start3A_233 = arith.constant 0 : i32
      %dma_start3A_234 = tpu.memref_slice %arg6[%dma_start3A_231, %dma_start3A_232, %dma_start3A_233] : memref<4x100x128xf32, #tpu.memory_space<vmem>> -> memref<1x50x128xf32, #tpu.memory_space<vmem>>
      %dma_start3A_235 = tpu.memref_squeeze %dma_start3A_234 : memref<1x50x128xf32, #tpu.memory_space<vmem>> -> memref<50x128xf32, #tpu.memory_space<vmem>>
      %dma_start3A_236 = arith.constant 0 : i32
      %dma_start3A_237 = arith.constant 0 : i32
      %dma_start3A_238 = tpu.memref_slice %arg4[%add3A_230, %dma_start3A_236, %dma_start3A_237] : memref<16384x50x128xf32, #tpu.memory_space<hbm>> -> memref<1x50x128xf32, #tpu.memory_space<hbm>>
      %dma_start3A_239 = tpu.memref_squeeze %dma_start3A_238 : memref<1x50x128xf32, #tpu.memory_space<hbm>> -> memref<50x128xf32, #tpu.memory_space<hbm>>
      %dma_start3A_240 = arith.constant 0 : i32
      %dma_start3A_241 = arith.constant 0 : i32
      %dma_start3A_242 = tpu.memref_slice %arg4[%add3A_230, %dma_start3A_240, %dma_start3A_241] : memref<16384x50x128xf32, #tpu.memory_space<hbm>> -> memref<1x50x128xf32, #tpu.memory_space<hbm>>
      %dma_start3A_243 = tpu.memref_squeeze %dma_start3A_242 : memref<1x50x128xf32, #tpu.memory_space<hbm>> -> memref<50x128xf32, #tpu.memory_space<hbm>>
      %dma_start3A_244 = arith.constant 0 : i32
      %dma_start3A_245 = arith.constant 0 : i32
      %dma_start3A_246 = tpu.memref_slice %arg6[%dma_start3A_231, %dma_start3A_244, %dma_start3A_245] : memref<4x100x128xf32, #tpu.memory_space<vmem>> -> memref<1x50x128xf32, #tpu.memory_space<vmem>>
      %dma_start3A_247 = tpu.memref_squeeze %dma_start3A_246 : memref<1x50x128xf32, #tpu.memory_space<vmem>> -> memref<50x128xf32, #tpu.memory_space<vmem>>
      tpu.enqueue_dma source(%dma_start3A_247 : memref<50x128xf32, #tpu.memory_space<vmem>>) target(%dma_start3A_243 : memref<50x128xf32, #tpu.memory_space<hbm>>) target_semaphore(%arg11 : memref<!tpu.dma_semaphore, #tpu.memory_space<semaphore_mem>>)
      %mul3A_248 = arith.constant 2 : i32
      %mul3A_249 = arith.muli %add3A_214, %mul3A_248 : i32
      %add3A_250 = arith.addi %mul3A_2, %mul3A_249 : i32
      %add3A_251 = arith.constant 1 : i32
      %add3A_252 = arith.addi %add3A_250, %add3A_251 : i32
      %dma_start3A_253 = arith.constant 0 : i32
      %dma_start3A_254 = arith.constant 50 : i32
      %dma_start3A_255 = arith.constant 0 : i32
      %dma_start3A_256 = tpu.memref_slice %arg6[%dma_start3A_253, %dma_start3A_254, %dma_start3A_255] : memref<4x100x128xf32, #tpu.memory_space<vmem>> -> memref<1x50x128xf32, #tpu.memory_space<vmem>>
      %dma_start3A_257 = tpu.memref_squeeze %dma_start3A_256 : memref<1x50x128xf32, #tpu.memory_space<vmem>> -> memref<50x128xf32, #tpu.memory_space<vmem>>
      %dma_start3A_258 = arith.constant 0 : i32
      %dma_start3A_259 = arith.constant 0 : i32
      %dma_start3A_260 = tpu.memref_slice %arg4[%add3A_252, %dma_start3A_258, %dma_start3A_259] : memref<16384x50x128xf32, #tpu.memory_space<hbm>> -> memref<1x50x128xf32, #tpu.memory_space<hbm>>
      %dma_start3A_261 = tpu.memref_squeeze %dma_start3A_260 : memref<1x50x128xf32, #tpu.memory_space<hbm>> -> memref<50x128xf32, #tpu.memory_space<hbm>>
      %dma_start3A_262 = arith.constant 0 : i32
      %dma_start3A_263 = arith.constant 0 : i32
      %dma_start3A_264 = tpu.memref_slice %arg4[%add3A_252, %dma_start3A_262, %dma_start3A_263] : memref<16384x50x128xf32, #tpu.memory_space<hbm>> -> memref<1x50x128xf32, #tpu.memory_space<hbm>>
      %dma_start3A_265 = tpu.memref_squeeze %dma_start3A_264 : memref<1x50x128xf32, #tpu.memory_space<hbm>> -> memref<50x128xf32, #tpu.memory_space<hbm>>
      %dma_start3A_266 = arith.constant 50 : i32
      %dma_start3A_267 = arith.constant 0 : i32
      %dma_start3A_268 = tpu.memref_slice %arg6[%dma_start3A_253, %dma_start3A_266, %dma_start3A_267] : memref<4x100x128xf32, #tpu.memory_space<vmem>> -> memref<1x50x128xf32, #tpu.memory_space<vmem>>
      %dma_start3A_269 = tpu.memref_squeeze %dma_start3A_268 : memref<1x50x128xf32, #tpu.memory_space<vmem>> -> memref<50x128xf32, #tpu.memory_space<vmem>>
      tpu.enqueue_dma source(%dma_start3A_269 : memref<50x128xf32, #tpu.memory_space<vmem>>) target(%dma_start3A_265 : memref<50x128xf32, #tpu.memory_space<hbm>>) target_semaphore(%arg11 : memref<!tpu.dma_semaphore, #tpu.memory_space<semaphore_mem>>)
      %add3A_270 = arith.constant 3 : i32
      %add3A_271 = arith.addi %add3A_214, %add3A_270 : i32
      %lt3A = arith.constant 256 : i32
      %lt3A_272 = arith.cmpi slt, %add3A_271, %lt3A : i32
      %convert_element_type3A = arith.extui %lt3A_272 : i1 to i32
      %cond3A = arith.constant 0 : i32
      %cond3A_273 = arith.cmpi ne, %convert_element_type3A, %cond3A : i32
      scf.if %cond3A_273 {
        %ge3A = arith.constant 4 : i32
        %ge3A_472 = arith.cmpi sge, %add3A_271, %ge3A : i32
        %convert_element_type3A_473 = arith.extui %ge3A_472 : i1 to i32
        %cond3A_474 = arith.constant 0 : i32
        %cond3A_475 = arith.cmpi ne, %convert_element_type3A_473, %cond3A_474 : i32
        scf.if %cond3A_475 {
          %sub3A = arith.constant 4 : i32
          %sub3A_487 = arith.subi %add3A_271, %sub3A : i32
          %mul3A_488 = arith.constant 2 : i32
          %mul3A_489 = arith.muli %sub3A_487, %mul3A_488 : i32
          %add3A_490 = arith.addi %mul3A_2, %mul3A_489 : i32
          %add3A_491 = arith.constant 0 : i32
          %add3A_492 = arith.addi %add3A_490, %add3A_491 : i32
          %dma_wait3A_493 = arith.constant 3 : i32
          %dma_wait3A_494 = arith.constant 0 : i32
          %dma_wait3A_495 = arith.constant 0 : i32
          %dma_wait3A_496 = tpu.memref_slice %arg6[%dma_wait3A_493, %dma_wait3A_494, %dma_wait3A_495] : memref<4x100x128xf32, #tpu.memory_space<vmem>> -> memref<1x50x128xf32, #tpu.memory_space<vmem>>
          %dma_wait3A_497 = tpu.memref_squeeze %dma_wait3A_496 : memref<1x50x128xf32, #tpu.memory_space<vmem>> -> memref<50x128xf32, #tpu.memory_space<vmem>>
          %dma_wait3A_498 = arith.constant 0 : i32
          %dma_wait3A_499 = arith.constant 0 : i32
          %dma_wait3A_500 = tpu.memref_slice %arg4[%add3A_492, %dma_wait3A_498, %dma_wait3A_499] : memref<16384x50x128xf32, #tpu.memory_space<hbm>> -> memref<1x50x128xf32, #tpu.memory_space<hbm>>
          %dma_wait3A_501 = tpu.memref_squeeze %dma_wait3A_500 : memref<1x50x128xf32, #tpu.memory_space<hbm>> -> memref<50x128xf32, #tpu.memory_space<hbm>>
          %dma_wait3A_502 = arith.constant 0 : i32
          %dma_wait3A_503 = arith.constant 0 : i32
          %dma_wait3A_504 = tpu.memref_slice %arg4[%add3A_492, %dma_wait3A_502, %dma_wait3A_503] : memref<16384x50x128xf32, #tpu.memory_space<hbm>> -> memref<1x50x128xf32, #tpu.memory_space<hbm>>
          %dma_wait3A_505 = tpu.memref_squeeze %dma_wait3A_504 : memref<1x50x128xf32, #tpu.memory_space<hbm>> -> memref<50x128xf32, #tpu.memory_space<hbm>>
          %dma_wait3A_506 = arith.constant 0 : i32
          %dma_wait3A_507 = arith.constant 0 : i32
          %dma_wait3A_508 = tpu.memref_slice %arg6[%dma_wait3A_493, %dma_wait3A_506, %dma_wait3A_507] : memref<4x100x128xf32, #tpu.memory_space<vmem>> -> memref<1x50x128xf32, #tpu.memory_space<vmem>>
          %dma_wait3A_509 = tpu.memref_squeeze %dma_wait3A_508 : memref<1x50x128xf32, #tpu.memory_space<vmem>> -> memref<50x128xf32, #tpu.memory_space<vmem>>
          tpu.wait_dma2 semaphore(%arg14 : memref<!tpu.dma_semaphore, #tpu.memory_space<semaphore_mem>>) src(%dma_wait3A_509 : memref<50x128xf32, #tpu.memory_space<vmem>>) dst(%dma_wait3A_505 : memref<50x128xf32, #tpu.memory_space<hbm>>)
          %mul3A_510 = arith.constant 2 : i32
          %mul3A_511 = arith.muli %sub3A_487, %mul3A_510 : i32
          %add3A_512 = arith.addi %mul3A_2, %mul3A_511 : i32
          %add3A_513 = arith.constant 1 : i32
          %add3A_514 = arith.addi %add3A_512, %add3A_513 : i32
          %dma_wait3A_515 = arith.constant 3 : i32
          %dma_wait3A_516 = arith.constant 50 : i32
          %dma_wait3A_517 = arith.constant 0 : i32
          %dma_wait3A_518 = tpu.memref_slice %arg6[%dma_wait3A_515, %dma_wait3A_516, %dma_wait3A_517] : memref<4x100x128xf32, #tpu.memory_space<vmem>> -> memref<1x50x128xf32, #tpu.memory_space<vmem>>
          %dma_wait3A_519 = tpu.memref_squeeze %dma_wait3A_518 : memref<1x50x128xf32, #tpu.memory_space<vmem>> -> memref<50x128xf32, #tpu.memory_space<vmem>>
          %dma_wait3A_520 = arith.constant 0 : i32
          %dma_wait3A_521 = arith.constant 0 : i32
          %dma_wait3A_522 = tpu.memref_slice %arg4[%add3A_514, %dma_wait3A_520, %dma_wait3A_521] : memref<16384x50x128xf32, #tpu.memory_space<hbm>> -> memref<1x50x128xf32, #tpu.memory_space<hbm>>
          %dma_wait3A_523 = tpu.memref_squeeze %dma_wait3A_522 : memref<1x50x128xf32, #tpu.memory_space<hbm>> -> memref<50x128xf32, #tpu.memory_space<hbm>>
          %dma_wait3A_524 = arith.constant 0 : i32
          %dma_wait3A_525 = arith.constant 0 : i32
          %dma_wait3A_526 = tpu.memref_slice %arg4[%add3A_514, %dma_wait3A_524, %dma_wait3A_525] : memref<16384x50x128xf32, #tpu.memory_space<hbm>> -> memref<1x50x128xf32, #tpu.memory_space<hbm>>
          %dma_wait3A_527 = tpu.memref_squeeze %dma_wait3A_526 : memref<1x50x128xf32, #tpu.memory_space<hbm>> -> memref<50x128xf32, #tpu.memory_space<hbm>>
          %dma_wait3A_528 = arith.constant 50 : i32
          %dma_wait3A_529 = arith.constant 0 : i32
          %dma_wait3A_530 = tpu.memref_slice %arg6[%dma_wait3A_515, %dma_wait3A_528, %dma_wait3A_529] : memref<4x100x128xf32, #tpu.memory_space<vmem>> -> memref<1x50x128xf32, #tpu.memory_space<vmem>>
          %dma_wait3A_531 = tpu.memref_squeeze %dma_wait3A_530 : memref<1x50x128xf32, #tpu.memory_space<vmem>> -> memref<50x128xf32, #tpu.memory_space<vmem>>
          tpu.wait_dma2 semaphore(%arg14 : memref<!tpu.dma_semaphore, #tpu.memory_space<semaphore_mem>>) src(%dma_wait3A_531 : memref<50x128xf32, #tpu.memory_space<vmem>>) dst(%dma_wait3A_527 : memref<50x128xf32, #tpu.memory_space<hbm>>)
        } else {
        }
        %dma_start3A_476 = arith.constant 3 : i32
        %dma_start3A_477 = arith.constant 0 : i32
        %dma_start3A_478 = arith.constant 0 : i32
        %dma_start3A_479 = tpu.memref_slice %arg6[%dma_start3A_476, %dma_start3A_477, %dma_start3A_478] : memref<4x100x128xf32, #tpu.memory_space<vmem>> -> memref<1x100x128xf32, #tpu.memory_space<vmem>>
        %dma_start3A_480 = tpu.memref_squeeze %dma_start3A_479 : memref<1x100x128xf32, #tpu.memory_space<vmem>> -> memref<100x128xf32, #tpu.memory_space<vmem>>
        %dma_start3A_481 = arith.constant 0 : i32
        %dma_start3A_482 = tpu.memref_slice %arg5[%add3A_271, %dma_start3A_481] : memref<256x100xi32, #tpu.memory_space<vmem>> -> memref<1x100xi32, #tpu.memory_space<vmem>>
        %dma_start3A_483 = tpu.memref_squeeze %dma_start3A_482 : memref<1x100xi32, #tpu.memory_space<vmem>> -> memref<100xi32, #tpu.memory_space<vmem>>
        %dma_start3A_484 = arith.constant 0 : i32
        %dma_start3A_485 = arith.constant 0 : i32
        %dma_start3A_486 = tpu.memref_slice %arg2[%dma_start3A_484, %dma_start3A_485] : memref<1000000x128xf32, #tpu.memory_space<hbm>> -> memref<1000000x128xf32, #tpu.memory_space<hbm>>
        tpu.enqueue_indirect_dma source(%dma_start3A_486 : memref<1000000x128xf32, #tpu.memory_space<hbm>>) target(%dma_start3A_480 : memref<100x128xf32, #tpu.memory_space<vmem>>) offsets(%dma_start3A_483 : memref<100xi32, #tpu.memory_space<vmem>>) semaphore(%arg10 : memref<!tpu.dma_semaphore, #tpu.memory_space<semaphore_mem>>)
      } else {
      }
      %mul3A_274 = arith.constant 4 : i32
      %mul3A_275 = arith.muli %scan3A_210, %mul3A_274 : i32
      %add3A_276 = arith.constant 1 : i32
      %add3A_277 = arith.addi %mul3A_275, %add3A_276 : i32
      %dma_wait3A_278 = arith.constant 1 : i32
      %dma_wait3A_279 = arith.constant 0 : i32
      %dma_wait3A_280 = arith.constant 0 : i32
      %dma_wait3A_281 = tpu.memref_slice %arg6[%dma_wait3A_278, %dma_wait3A_279, %dma_wait3A_280] : memref<4x100x128xf32, #tpu.memory_space<vmem>> -> memref<1x100x128xf32, #tpu.memory_space<vmem>>
      %dma_wait3A_282 = tpu.memref_squeeze %dma_wait3A_281 : memref<1x100x128xf32, #tpu.memory_space<vmem>> -> memref<100x128xf32, #tpu.memory_space<vmem>>
      %dma_wait3A_283 = arith.constant 0 : i32
      %dma_wait3A_284 = tpu.memref_slice %arg5[%add3A_277, %dma_wait3A_283] : memref<256x100xi32, #tpu.memory_space<vmem>> -> memref<1x100xi32, #tpu.memory_space<vmem>>
      %dma_wait3A_285 = tpu.memref_squeeze %dma_wait3A_284 : memref<1x100xi32, #tpu.memory_space<vmem>> -> memref<100xi32, #tpu.memory_space<vmem>>
      %dma_wait3A_286 = arith.constant 0 : i32
      %dma_wait3A_287 = arith.constant 0 : i32
      %dma_wait3A_288 = tpu.memref_slice %arg2[%dma_wait3A_286, %dma_wait3A_287] : memref<1000000x128xf32, #tpu.memory_space<hbm>> -> memref<1000000x128xf32, #tpu.memory_space<hbm>>
      tpu.wait_indirect_dma semaphore(%arg8 : memref<!tpu.dma_semaphore, #tpu.memory_space<semaphore_mem>>) src(%dma_wait3A_288 : memref<1000000x128xf32, #tpu.memory_space<hbm>>) dst(%dma_wait3A_282 : memref<100x128xf32, #tpu.memory_space<vmem>>)
      %mul3A_289 = arith.constant 2 : i32
      %mul3A_290 = arith.muli %add3A_277, %mul3A_289 : i32
      %add3A_291 = arith.addi %mul3A_2, %mul3A_290 : i32
      %add3A_292 = arith.constant 0 : i32
      %add3A_293 = arith.addi %add3A_291, %add3A_292 : i32
      %dma_start3A_294 = arith.constant 1 : i32
      %dma_start3A_295 = arith.constant 0 : i32
      %dma_start3A_296 = arith.constant 0 : i32
      %dma_start3A_297 = tpu.memref_slice %arg6[%dma_start3A_294, %dma_start3A_295, %dma_start3A_296] : memref<4x100x128xf32, #tpu.memory_space<vmem>> -> memref<1x50x128xf32, #tpu.memory_space<vmem>>
      %dma_start3A_298 = tpu.memref_squeeze %dma_start3A_297 : memref<1x50x128xf32, #tpu.memory_space<vmem>> -> memref<50x128xf32, #tpu.memory_space<vmem>>
      %dma_start3A_299 = arith.constant 0 : i32
      %dma_start3A_300 = arith.constant 0 : i32
      %dma_start3A_301 = tpu.memref_slice %arg4[%add3A_293, %dma_start3A_299, %dma_start3A_300] : memref<16384x50x128xf32, #tpu.memory_space<hbm>> -> memref<1x50x128xf32, #tpu.memory_space<hbm>>
      %dma_start3A_302 = tpu.memref_squeeze %dma_start3A_301 : memref<1x50x128xf32, #tpu.memory_space<hbm>> -> memref<50x128xf32, #tpu.memory_space<hbm>>
      %dma_start3A_303 = arith.constant 0 : i32
      %dma_start3A_304 = arith.constant 0 : i32
      %dma_start3A_305 = tpu.memref_slice %arg4[%add3A_293, %dma_start3A_303, %dma_start3A_304] : memref<16384x50x128xf32, #tpu.memory_space<hbm>> -> memref<1x50x128xf32, #tpu.memory_space<hbm>>
      %dma_start3A_306 = tpu.memref_squeeze %dma_start3A_305 : memref<1x50x128xf32, #tpu.memory_space<hbm>> -> memref<50x128xf32, #tpu.memory_space<hbm>>
      %dma_start3A_307 = arith.constant 0 : i32
      %dma_start3A_308 = arith.constant 0 : i32
      %dma_start3A_309 = tpu.memref_slice %arg6[%dma_start3A_294, %dma_start3A_307, %dma_start3A_308] : memref<4x100x128xf32, #tpu.memory_space<vmem>> -> memref<1x50x128xf32, #tpu.memory_space<vmem>>
      %dma_start3A_310 = tpu.memref_squeeze %dma_start3A_309 : memref<1x50x128xf32, #tpu.memory_space<vmem>> -> memref<50x128xf32, #tpu.memory_space<vmem>>
      tpu.enqueue_dma source(%dma_start3A_310 : memref<50x128xf32, #tpu.memory_space<vmem>>) target(%dma_start3A_306 : memref<50x128xf32, #tpu.memory_space<hbm>>) target_semaphore(%arg12 : memref<!tpu.dma_semaphore, #tpu.memory_space<semaphore_mem>>)
      %mul3A_311 = arith.constant 2 : i32
      %mul3A_312 = arith.muli %add3A_277, %mul3A_311 : i32
      %add3A_313 = arith.addi %mul3A_2, %mul3A_312 : i32
      %add3A_314 = arith.constant 1 : i32
      %add3A_315 = arith.addi %add3A_313, %add3A_314 : i32
      %dma_start3A_316 = arith.constant 1 : i32
      %dma_start3A_317 = arith.constant 50 : i32
      %dma_start3A_318 = arith.constant 0 : i32
      %dma_start3A_319 = tpu.memref_slice %arg6[%dma_start3A_316, %dma_start3A_317, %dma_start3A_318] : memref<4x100x128xf32, #tpu.memory_space<vmem>> -> memref<1x50x128xf32, #tpu.memory_space<vmem>>
      %dma_start3A_320 = tpu.memref_squeeze %dma_start3A_319 : memref<1x50x128xf32, #tpu.memory_space<vmem>> -> memref<50x128xf32, #tpu.memory_space<vmem>>
      %dma_start3A_321 = arith.constant 0 : i32
      %dma_start3A_322 = arith.constant 0 : i32
      %dma_start3A_323 = tpu.memref_slice %arg4[%add3A_315, %dma_start3A_321, %dma_start3A_322] : memref<16384x50x128xf32, #tpu.memory_space<hbm>> -> memref<1x50x128xf32, #tpu.memory_space<hbm>>
      %dma_start3A_324 = tpu.memref_squeeze %dma_start3A_323 : memref<1x50x128xf32, #tpu.memory_space<hbm>> -> memref<50x128xf32, #tpu.memory_space<hbm>>
      %dma_start3A_325 = arith.constant 0 : i32
      %dma_start3A_326 = arith.constant 0 : i32
      %dma_start3A_327 = tpu.memref_slice %arg4[%add3A_315, %dma_start3A_325, %dma_start3A_326] : memref<16384x50x128xf32, #tpu.memory_space<hbm>> -> memref<1x50x128xf32, #tpu.memory_space<hbm>>
      %dma_start3A_328 = tpu.memref_squeeze %dma_start3A_327 : memref<1x50x128xf32, #tpu.memory_space<hbm>> -> memref<50x128xf32, #tpu.memory_space<hbm>>
      %dma_start3A_329 = arith.constant 50 : i32
      %dma_start3A_330 = arith.constant 0 : i32
      %dma_start3A_331 = tpu.memref_slice %arg6[%dma_start3A_316, %dma_start3A_329, %dma_start3A_330] : memref<4x100x128xf32, #tpu.memory_space<vmem>> -> memref<1x50x128xf32, #tpu.memory_space<vmem>>
      %dma_start3A_332 = tpu.memref_squeeze %dma_start3A_331 : memref<1x50x128xf32, #tpu.memory_space<vmem>> -> memref<50x128xf32, #tpu.memory_space<vmem>>
      tpu.enqueue_dma source(%dma_start3A_332 : memref<50x128xf32, #tpu.memory_space<vmem>>) target(%dma_start3A_328 : memref<50x128xf32, #tpu.memory_space<hbm>>) target_semaphore(%arg12 : memref<!tpu.dma_semaphore, #tpu.memory_space<semaphore_mem>>)
      %add3A_333 = arith.constant 3 : i32
      %add3A_334 = arith.addi %add3A_277, %add3A_333 : i32
      %lt3A_335 = arith.constant 256 : i32
      %lt3A_336 = arith.cmpi slt, %add3A_334, %lt3A_335 : i32
      %convert_element_type3A_337 = arith.extui %lt3A_336 : i1 to i32
      %cond3A_338 = arith.constant 0 : i32
      %cond3A_339 = arith.cmpi ne, %convert_element_type3A_337, %cond3A_338 : i32
      scf.if %cond3A_339 {
        %ge3A = arith.constant 4 : i32
        %ge3A_472 = arith.cmpi sge, %add3A_334, %ge3A : i32
        %convert_element_type3A_473 = arith.extui %ge3A_472 : i1 to i32
        %cond3A_474 = arith.constant 0 : i32
        %cond3A_475 = arith.cmpi ne, %convert_element_type3A_473, %cond3A_474 : i32
        scf.if %cond3A_475 {
          %sub3A = arith.constant 4 : i32
          %sub3A_487 = arith.subi %add3A_334, %sub3A : i32
          %mul3A_488 = arith.constant 2 : i32
          %mul3A_489 = arith.muli %sub3A_487, %mul3A_488 : i32
          %add3A_490 = arith.addi %mul3A_2, %mul3A_489 : i32
          %add3A_491 = arith.constant 0 : i32
          %add3A_492 = arith.addi %add3A_490, %add3A_491 : i32
          %dma_wait3A_493 = arith.constant 0 : i32
          %dma_wait3A_494 = arith.constant 0 : i32
          %dma_wait3A_495 = arith.constant 0 : i32
          %dma_wait3A_496 = tpu.memref_slice %arg6[%dma_wait3A_493, %dma_wait3A_494, %dma_wait3A_495] : memref<4x100x128xf32, #tpu.memory_space<vmem>> -> memref<1x50x128xf32, #tpu.memory_space<vmem>>
          %dma_wait3A_497 = tpu.memref_squeeze %dma_wait3A_496 : memref<1x50x128xf32, #tpu.memory_space<vmem>> -> memref<50x128xf32, #tpu.memory_space<vmem>>
          %dma_wait3A_498 = arith.constant 0 : i32
          %dma_wait3A_499 = arith.constant 0 : i32
          %dma_wait3A_500 = tpu.memref_slice %arg4[%add3A_492, %dma_wait3A_498, %dma_wait3A_499] : memref<16384x50x128xf32, #tpu.memory_space<hbm>> -> memref<1x50x128xf32, #tpu.memory_space<hbm>>
          %dma_wait3A_501 = tpu.memref_squeeze %dma_wait3A_500 : memref<1x50x128xf32, #tpu.memory_space<hbm>> -> memref<50x128xf32, #tpu.memory_space<hbm>>
          %dma_wait3A_502 = arith.constant 0 : i32
          %dma_wait3A_503 = arith.constant 0 : i32
          %dma_wait3A_504 = tpu.memref_slice %arg4[%add3A_492, %dma_wait3A_502, %dma_wait3A_503] : memref<16384x50x128xf32, #tpu.memory_space<hbm>> -> memref<1x50x128xf32, #tpu.memory_space<hbm>>
          %dma_wait3A_505 = tpu.memref_squeeze %dma_wait3A_504 : memref<1x50x128xf32, #tpu.memory_space<hbm>> -> memref<50x128xf32, #tpu.memory_space<hbm>>
          %dma_wait3A_506 = arith.constant 0 : i32
          %dma_wait3A_507 = arith.constant 0 : i32
          %dma_wait3A_508 = tpu.memref_slice %arg6[%dma_wait3A_493, %dma_wait3A_506, %dma_wait3A_507] : memref<4x100x128xf32, #tpu.memory_space<vmem>> -> memref<1x50x128xf32, #tpu.memory_space<vmem>>
          %dma_wait3A_509 = tpu.memref_squeeze %dma_wait3A_508 : memref<1x50x128xf32, #tpu.memory_space<vmem>> -> memref<50x128xf32, #tpu.memory_space<vmem>>
          tpu.wait_dma2 semaphore(%arg11 : memref<!tpu.dma_semaphore, #tpu.memory_space<semaphore_mem>>) src(%dma_wait3A_509 : memref<50x128xf32, #tpu.memory_space<vmem>>) dst(%dma_wait3A_505 : memref<50x128xf32, #tpu.memory_space<hbm>>)
          %mul3A_510 = arith.constant 2 : i32
          %mul3A_511 = arith.muli %sub3A_487, %mul3A_510 : i32
          %add3A_512 = arith.addi %mul3A_2, %mul3A_511 : i32
          %add3A_513 = arith.constant 1 : i32
          %add3A_514 = arith.addi %add3A_512, %add3A_513 : i32
          %dma_wait3A_515 = arith.constant 0 : i32
          %dma_wait3A_516 = arith.constant 50 : i32
          %dma_wait3A_517 = arith.constant 0 : i32
          %dma_wait3A_518 = tpu.memref_slice %arg6[%dma_wait3A_515, %dma_wait3A_516, %dma_wait3A_517] : memref<4x100x128xf32, #tpu.memory_space<vmem>> -> memref<1x50x128xf32, #tpu.memory_space<vmem>>
          %dma_wait3A_519 = tpu.memref_squeeze %dma_wait3A_518 : memref<1x50x128xf32, #tpu.memory_space<vmem>> -> memref<50x128xf32, #tpu.memory_space<vmem>>
          %dma_wait3A_520 = arith.constant 0 : i32
          %dma_wait3A_521 = arith.constant 0 : i32
          %dma_wait3A_522 = tpu.memref_slice %arg4[%add3A_514, %dma_wait3A_520, %dma_wait3A_521] : memref<16384x50x128xf32, #tpu.memory_space<hbm>> -> memref<1x50x128xf32, #tpu.memory_space<hbm>>
          %dma_wait3A_523 = tpu.memref_squeeze %dma_wait3A_522 : memref<1x50x128xf32, #tpu.memory_space<hbm>> -> memref<50x128xf32, #tpu.memory_space<hbm>>
          %dma_wait3A_524 = arith.constant 0 : i32
          %dma_wait3A_525 = arith.constant 0 : i32
          %dma_wait3A_526 = tpu.memref_slice %arg4[%add3A_514, %dma_wait3A_524, %dma_wait3A_525] : memref<16384x50x128xf32, #tpu.memory_space<hbm>> -> memref<1x50x128xf32, #tpu.memory_space<hbm>>
          %dma_wait3A_527 = tpu.memref_squeeze %dma_wait3A_526 : memref<1x50x128xf32, #tpu.memory_space<hbm>> -> memref<50x128xf32, #tpu.memory_space<hbm>>
          %dma_wait3A_528 = arith.constant 50 : i32
          %dma_wait3A_529 = arith.constant 0 : i32
          %dma_wait3A_530 = tpu.memref_slice %arg6[%dma_wait3A_515, %dma_wait3A_528, %dma_wait3A_529] : memref<4x100x128xf32, #tpu.memory_space<vmem>> -> memref<1x50x128xf32, #tpu.memory_space<vmem>>
          %dma_wait3A_531 = tpu.memref_squeeze %dma_wait3A_530 : memref<1x50x128xf32, #tpu.memory_space<vmem>> -> memref<50x128xf32, #tpu.memory_space<vmem>>
          tpu.wait_dma2 semaphore(%arg11 : memref<!tpu.dma_semaphore, #tpu.memory_space<semaphore_mem>>) src(%dma_wait3A_531 : memref<50x128xf32, #tpu.memory_space<vmem>>) dst(%dma_wait3A_527 : memref<50x128xf32, #tpu.memory_space<hbm>>)
        } else {
        }
        %dma_start3A_476 = arith.constant 0 : i32
        %dma_start3A_477 = arith.constant 0 : i32
        %dma_start3A_478 = arith.constant 0 : i32
        %dma_start3A_479 = tpu.memref_slice %arg6[%dma_start3A_476, %dma_start3A_477, %dma_start3A_478] : memref<4x100x128xf32, #tpu.memory_space<vmem>> -> memref<1x100x128xf32, #tpu.memory_space<vmem>>
        %dma_start3A_480 = tpu.memref_squeeze %dma_start3A_479 : memref<1x100x128xf32, #tpu.memory_space<vmem>> -> memref<100x128xf32, #tpu.memory_space<vmem>>
        %dma_start3A_481 = arith.constant 0 : i32
        %dma_start3A_482 = tpu.memref_slice %arg5[%add3A_334, %dma_start3A_481] : memref<256x100xi32, #tpu.memory_space<vmem>> -> memref<1x100xi32, #tpu.memory_space<vmem>>
        %dma_start3A_483 = tpu.memref_squeeze %dma_start3A_482 : memref<1x100xi32, #tpu.memory_space<vmem>> -> memref<100xi32, #tpu.memory_space<vmem>>
        %dma_start3A_484 = arith.constant 0 : i32
        %dma_start3A_485 = arith.constant 0 : i32
        %dma_start3A_486 = tpu.memref_slice %arg2[%dma_start3A_484, %dma_start3A_485] : memref<1000000x128xf32, #tpu.memory_space<hbm>> -> memref<1000000x128xf32, #tpu.memory_space<hbm>>
        tpu.enqueue_indirect_dma source(%dma_start3A_486 : memref<1000000x128xf32, #tpu.memory_space<hbm>>) target(%dma_start3A_480 : memref<100x128xf32, #tpu.memory_space<vmem>>) offsets(%dma_start3A_483 : memref<100xi32, #tpu.memory_space<vmem>>) semaphore(%arg7 : memref<!tpu.dma_semaphore, #tpu.memory_space<semaphore_mem>>)
      } else {
      }
      %mul3A_340 = arith.constant 4 : i32
      %mul3A_341 = arith.muli %scan3A_210, %mul3A_340 : i32
      %add3A_342 = arith.constant 2 : i32
      %add3A_343 = arith.addi %mul3A_341, %add3A_342 : i32
      %dma_wait3A_344 = arith.constant 2 : i32
      %dma_wait3A_345 = arith.constant 0 : i32
      %dma_wait3A_346 = arith.constant 0 : i32
      %dma_wait3A_347 = tpu.memref_slice %arg6[%dma_wait3A_344, %dma_wait3A_345, %dma_wait3A_346] : memref<4x100x128xf32, #tpu.memory_space<vmem>> -> memref<1x100x128xf32, #tpu.memory_space<vmem>>
      %dma_wait3A_348 = tpu.memref_squeeze %dma_wait3A_347 : memref<1x100x128xf32, #tpu.memory_space<vmem>> -> memref<100x128xf32, #tpu.memory_space<vmem>>
      %dma_wait3A_349 = arith.constant 0 : i32
      %dma_wait3A_350 = tpu.memref_slice %arg5[%add3A_343, %dma_wait3A_349] : memref<256x100xi32, #tpu.memory_space<vmem>> -> memref<1x100xi32, #tpu.memory_space<vmem>>
      %dma_wait3A_351 = tpu.memref_squeeze %dma_wait3A_350 : memref<1x100xi32, #tpu.memory_space<vmem>> -> memref<100xi32, #tpu.memory_space<vmem>>
      %dma_wait3A_352 = arith.constant 0 : i32
      %dma_wait3A_353 = arith.constant 0 : i32
      %dma_wait3A_354 = tpu.memref_slice %arg2[%dma_wait3A_352, %dma_wait3A_353] : memref<1000000x128xf32, #tpu.memory_space<hbm>> -> memref<1000000x128xf32, #tpu.memory_space<hbm>>
      tpu.wait_indirect_dma semaphore(%arg9 : memref<!tpu.dma_semaphore, #tpu.memory_space<semaphore_mem>>) src(%dma_wait3A_354 : memref<1000000x128xf32, #tpu.memory_space<hbm>>) dst(%dma_wait3A_348 : memref<100x128xf32, #tpu.memory_space<vmem>>)
      %mul3A_355 = arith.constant 2 : i32
      %mul3A_356 = arith.muli %add3A_343, %mul3A_355 : i32
      %add3A_357 = arith.addi %mul3A_2, %mul3A_356 : i32
      %add3A_358 = arith.constant 0 : i32
      %add3A_359 = arith.addi %add3A_357, %add3A_358 : i32
      %dma_start3A_360 = arith.constant 2 : i32
      %dma_start3A_361 = arith.constant 0 : i32
      %dma_start3A_362 = arith.constant 0 : i32
      %dma_start3A_363 = tpu.memref_slice %arg6[%dma_start3A_360, %dma_start3A_361, %dma_start3A_362] : memref<4x100x128xf32, #tpu.memory_space<vmem>> -> memref<1x50x128xf32, #tpu.memory_space<vmem>>
      %dma_start3A_364 = tpu.memref_squeeze %dma_start3A_363 : memref<1x50x128xf32, #tpu.memory_space<vmem>> -> memref<50x128xf32, #tpu.memory_space<vmem>>
      %dma_start3A_365 = arith.constant 0 : i32
      %dma_start3A_366 = arith.constant 0 : i32
      %dma_start3A_367 = tpu.memref_slice %arg4[%add3A_359, %dma_start3A_365, %dma_start3A_366] : memref<16384x50x128xf32, #tpu.memory_space<hbm>> -> memref<1x50x128xf32, #tpu.memory_space<hbm>>
      %dma_start3A_368 = tpu.memref_squeeze %dma_start3A_367 : memref<1x50x128xf32, #tpu.memory_space<hbm>> -> memref<50x128xf32, #tpu.memory_space<hbm>>
      %dma_start3A_369 = arith.constant 0 : i32
      %dma_start3A_370 = arith.constant 0 : i32
      %dma_start3A_371 = tpu.memref_slice %arg4[%add3A_359, %dma_start3A_369, %dma_start3A_370] : memref<16384x50x128xf32, #tpu.memory_space<hbm>> -> memref<1x50x128xf32, #tpu.memory_space<hbm>>
      %dma_start3A_372 = tpu.memref_squeeze %dma_start3A_371 : memref<1x50x128xf32, #tpu.memory_space<hbm>> -> memref<50x128xf32, #tpu.memory_space<hbm>>
      %dma_start3A_373 = arith.constant 0 : i32
      %dma_start3A_374 = arith.constant 0 : i32
      %dma_start3A_375 = tpu.memref_slice %arg6[%dma_start3A_360, %dma_start3A_373, %dma_start3A_374] : memref<4x100x128xf32, #tpu.memory_space<vmem>> -> memref<1x50x128xf32, #tpu.memory_space<vmem>>
      %dma_start3A_376 = tpu.memref_squeeze %dma_start3A_375 : memref<1x50x128xf32, #tpu.memory_space<vmem>> -> memref<50x128xf32, #tpu.memory_space<vmem>>
      tpu.enqueue_dma source(%dma_start3A_376 : memref<50x128xf32, #tpu.memory_space<vmem>>) target(%dma_start3A_372 : memref<50x128xf32, #tpu.memory_space<hbm>>) target_semaphore(%arg13 : memref<!tpu.dma_semaphore, #tpu.memory_space<semaphore_mem>>)
      %mul3A_377 = arith.constant 2 : i32
      %mul3A_378 = arith.muli %add3A_343, %mul3A_377 : i32
      %add3A_379 = arith.addi %mul3A_2, %mul3A_378 : i32
      %add3A_380 = arith.constant 1 : i32
      %add3A_381 = arith.addi %add3A_379, %add3A_380 : i32
      %dma_start3A_382 = arith.constant 2 : i32
      %dma_start3A_383 = arith.constant 50 : i32
      %dma_start3A_384 = arith.constant 0 : i32
      %dma_start3A_385 = tpu.memref_slice %arg6[%dma_start3A_382, %dma_start3A_383, %dma_start3A_384] : memref<4x100x128xf32, #tpu.memory_space<vmem>> -> memref<1x50x128xf32, #tpu.memory_space<vmem>>
      %dma_start3A_386 = tpu.memref_squeeze %dma_start3A_385 : memref<1x50x128xf32, #tpu.memory_space<vmem>> -> memref<50x128xf32, #tpu.memory_space<vmem>>
      %dma_start3A_387 = arith.constant 0 : i32
      %dma_start3A_388 = arith.constant 0 : i32
      %dma_start3A_389 = tpu.memref_slice %arg4[%add3A_381, %dma_start3A_387, %dma_start3A_388] : memref<16384x50x128xf32, #tpu.memory_space<hbm>> -> memref<1x50x128xf32, #tpu.memory_space<hbm>>
      %dma_start3A_390 = tpu.memref_squeeze %dma_start3A_389 : memref<1x50x128xf32, #tpu.memory_space<hbm>> -> memref<50x128xf32, #tpu.memory_space<hbm>>
      %dma_start3A_391 = arith.constant 0 : i32
      %dma_start3A_392 = arith.constant 0 : i32
      %dma_start3A_393 = tpu.memref_slice %arg4[%add3A_381, %dma_start3A_391, %dma_start3A_392] : memref<16384x50x128xf32, #tpu.memory_space<hbm>> -> memref<1x50x128xf32, #tpu.memory_space<hbm>>
      %dma_start3A_394 = tpu.memref_squeeze %dma_start3A_393 : memref<1x50x128xf32, #tpu.memory_space<hbm>> -> memref<50x128xf32, #tpu.memory_space<hbm>>
      %dma_start3A_395 = arith.constant 50 : i32
      %dma_start3A_396 = arith.constant 0 : i32
      %dma_start3A_397 = tpu.memref_slice %arg6[%dma_start3A_382, %dma_start3A_395, %dma_start3A_396] : memref<4x100x128xf32, #tpu.memory_space<vmem>> -> memref<1x50x128xf32, #tpu.memory_space<vmem>>
      %dma_start3A_398 = tpu.memref_squeeze %dma_start3A_397 : memref<1x50x128xf32, #tpu.memory_space<vmem>> -> memref<50x128xf32, #tpu.memory_space<vmem>>
      tpu.enqueue_dma source(%dma_start3A_398 : memref<50x128xf32, #tpu.memory_space<vmem>>) target(%dma_start3A_394 : memref<50x128xf32, #tpu.memory_space<hbm>>) target_semaphore(%arg13 : memref<!tpu.dma_semaphore, #tpu.memory_space<semaphore_mem>>)
      %add3A_399 = arith.constant 3 : i32
      %add3A_400 = arith.addi %add3A_343, %add3A_399 : i32
      %lt3A_401 = arith.constant 256 : i32
      %lt3A_402 = arith.cmpi slt, %add3A_400, %lt3A_401 : i32
      %convert_element_type3A_403 = arith.extui %lt3A_402 : i1 to i32
      %cond3A_404 = arith.constant 0 : i32
      %cond3A_405 = arith.cmpi ne, %convert_element_type3A_403, %cond3A_404 : i32
      scf.if %cond3A_405 {
        %ge3A = arith.constant 4 : i32
        %ge3A_472 = arith.cmpi sge, %add3A_400, %ge3A : i32
        %convert_element_type3A_473 = arith.extui %ge3A_472 : i1 to i32
        %cond3A_474 = arith.constant 0 : i32
        %cond3A_475 = arith.cmpi ne, %convert_element_type3A_473, %cond3A_474 : i32
        scf.if %cond3A_475 {
          %sub3A = arith.constant 4 : i32
          %sub3A_487 = arith.subi %add3A_400, %sub3A : i32
          %mul3A_488 = arith.constant 2 : i32
          %mul3A_489 = arith.muli %sub3A_487, %mul3A_488 : i32
          %add3A_490 = arith.addi %mul3A_2, %mul3A_489 : i32
          %add3A_491 = arith.constant 0 : i32
          %add3A_492 = arith.addi %add3A_490, %add3A_491 : i32
          %dma_wait3A_493 = arith.constant 1 : i32
          %dma_wait3A_494 = arith.constant 0 : i32
          %dma_wait3A_495 = arith.constant 0 : i32
          %dma_wait3A_496 = tpu.memref_slice %arg6[%dma_wait3A_493, %dma_wait3A_494, %dma_wait3A_495] : memref<4x100x128xf32, #tpu.memory_space<vmem>> -> memref<1x50x128xf32, #tpu.memory_space<vmem>>
          %dma_wait3A_497 = tpu.memref_squeeze %dma_wait3A_496 : memref<1x50x128xf32, #tpu.memory_space<vmem>> -> memref<50x128xf32, #tpu.memory_space<vmem>>
          %dma_wait3A_498 = arith.constant 0 : i32
          %dma_wait3A_499 = arith.constant 0 : i32
          %dma_wait3A_500 = tpu.memref_slice %arg4[%add3A_492, %dma_wait3A_498, %dma_wait3A_499] : memref<16384x50x128xf32, #tpu.memory_space<hbm>> -> memref<1x50x128xf32, #tpu.memory_space<hbm>>
          %dma_wait3A_501 = tpu.memref_squeeze %dma_wait3A_500 : memref<1x50x128xf32, #tpu.memory_space<hbm>> -> memref<50x128xf32, #tpu.memory_space<hbm>>
          %dma_wait3A_502 = arith.constant 0 : i32
          %dma_wait3A_503 = arith.constant 0 : i32
          %dma_wait3A_504 = tpu.memref_slice %arg4[%add3A_492, %dma_wait3A_502, %dma_wait3A_503] : memref<16384x50x128xf32, #tpu.memory_space<hbm>> -> memref<1x50x128xf32, #tpu.memory_space<hbm>>
          %dma_wait3A_505 = tpu.memref_squeeze %dma_wait3A_504 : memref<1x50x128xf32, #tpu.memory_space<hbm>> -> memref<50x128xf32, #tpu.memory_space<hbm>>
          %dma_wait3A_506 = arith.constant 0 : i32
          %dma_wait3A_507 = arith.constant 0 : i32
          %dma_wait3A_508 = tpu.memref_slice %arg6[%dma_wait3A_493, %dma_wait3A_506, %dma_wait3A_507] : memref<4x100x128xf32, #tpu.memory_space<vmem>> -> memref<1x50x128xf32, #tpu.memory_space<vmem>>
          %dma_wait3A_509 = tpu.memref_squeeze %dma_wait3A_508 : memref<1x50x128xf32, #tpu.memory_space<vmem>> -> memref<50x128xf32, #tpu.memory_space<vmem>>
          tpu.wait_dma2 semaphore(%arg12 : memref<!tpu.dma_semaphore, #tpu.memory_space<semaphore_mem>>) src(%dma_wait3A_509 : memref<50x128xf32, #tpu.memory_space<vmem>>) dst(%dma_wait3A_505 : memref<50x128xf32, #tpu.memory_space<hbm>>)
          %mul3A_510 = arith.constant 2 : i32
          %mul3A_511 = arith.muli %sub3A_487, %mul3A_510 : i32
          %add3A_512 = arith.addi %mul3A_2, %mul3A_511 : i32
          %add3A_513 = arith.constant 1 : i32
          %add3A_514 = arith.addi %add3A_512, %add3A_513 : i32
          %dma_wait3A_515 = arith.constant 1 : i32
          %dma_wait3A_516 = arith.constant 50 : i32
          %dma_wait3A_517 = arith.constant 0 : i32
          %dma_wait3A_518 = tpu.memref_slice %arg6[%dma_wait3A_515, %dma_wait3A_516, %dma_wait3A_517] : memref<4x100x128xf32, #tpu.memory_space<vmem>> -> memref<1x50x128xf32, #tpu.memory_space<vmem>>
          %dma_wait3A_519 = tpu.memref_squeeze %dma_wait3A_518 : memref<1x50x128xf32, #tpu.memory_space<vmem>> -> memref<50x128xf32, #tpu.memory_space<vmem>>
          %dma_wait3A_520 = arith.constant 0 : i32
          %dma_wait3A_521 = arith.constant 0 : i32
          %dma_wait3A_522 = tpu.memref_slice %arg4[%add3A_514, %dma_wait3A_520, %dma_wait3A_521] : memref<16384x50x128xf32, #tpu.memory_space<hbm>> -> memref<1x50x128xf32, #tpu.memory_space<hbm>>
          %dma_wait3A_523 = tpu.memref_squeeze %dma_wait3A_522 : memref<1x50x128xf32, #tpu.memory_space<hbm>> -> memref<50x128xf32, #tpu.memory_space<hbm>>
          %dma_wait3A_524 = arith.constant 0 : i32
          %dma_wait3A_525 = arith.constant 0 : i32
          %dma_wait3A_526 = tpu.memref_slice %arg4[%add3A_514, %dma_wait3A_524, %dma_wait3A_525] : memref<16384x50x128xf32, #tpu.memory_space<hbm>> -> memref<1x50x128xf32, #tpu.memory_space<hbm>>
          %dma_wait3A_527 = tpu.memref_squeeze %dma_wait3A_526 : memref<1x50x128xf32, #tpu.memory_space<hbm>> -> memref<50x128xf32, #tpu.memory_space<hbm>>
          %dma_wait3A_528 = arith.constant 50 : i32
          %dma_wait3A_529 = arith.constant 0 : i32
          %dma_wait3A_530 = tpu.memref_slice %arg6[%dma_wait3A_515, %dma_wait3A_528, %dma_wait3A_529] : memref<4x100x128xf32, #tpu.memory_space<vmem>> -> memref<1x50x128xf32, #tpu.memory_space<vmem>>
          %dma_wait3A_531 = tpu.memref_squeeze %dma_wait3A_530 : memref<1x50x128xf32, #tpu.memory_space<vmem>> -> memref<50x128xf32, #tpu.memory_space<vmem>>
          tpu.wait_dma2 semaphore(%arg12 : memref<!tpu.dma_semaphore, #tpu.memory_space<semaphore_mem>>) src(%dma_wait3A_531 : memref<50x128xf32, #tpu.memory_space<vmem>>) dst(%dma_wait3A_527 : memref<50x128xf32, #tpu.memory_space<hbm>>)
        } else {
        }
        %dma_start3A_476 = arith.constant 1 : i32
        %dma_start3A_477 = arith.constant 0 : i32
        %dma_start3A_478 = arith.constant 0 : i32
        %dma_start3A_479 = tpu.memref_slice %arg6[%dma_start3A_476, %dma_start3A_477, %dma_start3A_478] : memref<4x100x128xf32, #tpu.memory_space<vmem>> -> memref<1x100x128xf32, #tpu.memory_space<vmem>>
        %dma_start3A_480 = tpu.memref_squeeze %dma_start3A_479 : memref<1x100x128xf32, #tpu.memory_space<vmem>> -> memref<100x128xf32, #tpu.memory_space<vmem>>
        %dma_start3A_481 = arith.constant 0 : i32
        %dma_start3A_482 = tpu.memref_slice %arg5[%add3A_400, %dma_start3A_481] : memref<256x100xi32, #tpu.memory_space<vmem>> -> memref<1x100xi32, #tpu.memory_space<vmem>>
        %dma_start3A_483 = tpu.memref_squeeze %dma_start3A_482 : memref<1x100xi32, #tpu.memory_space<vmem>> -> memref<100xi32, #tpu.memory_space<vmem>>
        %dma_start3A_484 = arith.constant 0 : i32
        %dma_start3A_485 = arith.constant 0 : i32
        %dma_start3A_486 = tpu.memref_slice %arg2[%dma_start3A_484, %dma_start3A_485] : memref<1000000x128xf32, #tpu.memory_space<hbm>> -> memref<1000000x128xf32, #tpu.memory_space<hbm>>
        tpu.enqueue_indirect_dma source(%dma_start3A_486 : memref<1000000x128xf32, #tpu.memory_space<hbm>>) target(%dma_start3A_480 : memref<100x128xf32, #tpu.memory_space<vmem>>) offsets(%dma_start3A_483 : memref<100xi32, #tpu.memory_space<vmem>>) semaphore(%arg8 : memref<!tpu.dma_semaphore, #tpu.memory_space<semaphore_mem>>)
      } else {
      }
      %mul3A_406 = arith.constant 4 : i32
      %mul3A_407 = arith.muli %scan3A_210, %mul3A_406 : i32
      %add3A_408 = arith.constant 3 : i32
      %add3A_409 = arith.addi %mul3A_407, %add3A_408 : i32
      %dma_wait3A_410 = arith.constant 3 : i32
      %dma_wait3A_411 = arith.constant 0 : i32
      %dma_wait3A_412 = arith.constant 0 : i32
      %dma_wait3A_413 = tpu.memref_slice %arg6[%dma_wait3A_410, %dma_wait3A_411, %dma_wait3A_412] : memref<4x100x128xf32, #tpu.memory_space<vmem>> -> memref<1x100x128xf32, #tpu.memory_space<vmem>>
      %dma_wait3A_414 = tpu.memref_squeeze %dma_wait3A_413 : memref<1x100x128xf32, #tpu.memory_space<vmem>> -> memref<100x128xf32, #tpu.memory_space<vmem>>
      %dma_wait3A_415 = arith.constant 0 : i32
      %dma_wait3A_416 = tpu.memref_slice %arg5[%add3A_409, %dma_wait3A_415] : memref<256x100xi32, #tpu.memory_space<vmem>> -> memref<1x100xi32, #tpu.memory_space<vmem>>
      %dma_wait3A_417 = tpu.memref_squeeze %dma_wait3A_416 : memref<1x100xi32, #tpu.memory_space<vmem>> -> memref<100xi32, #tpu.memory_space<vmem>>
      %dma_wait3A_418 = arith.constant 0 : i32
      %dma_wait3A_419 = arith.constant 0 : i32
      %dma_wait3A_420 = tpu.memref_slice %arg2[%dma_wait3A_418, %dma_wait3A_419] : memref<1000000x128xf32, #tpu.memory_space<hbm>> -> memref<1000000x128xf32, #tpu.memory_space<hbm>>
      tpu.wait_indirect_dma semaphore(%arg10 : memref<!tpu.dma_semaphore, #tpu.memory_space<semaphore_mem>>) src(%dma_wait3A_420 : memref<1000000x128xf32, #tpu.memory_space<hbm>>) dst(%dma_wait3A_414 : memref<100x128xf32, #tpu.memory_space<vmem>>)
      %mul3A_421 = arith.constant 2 : i32
      %mul3A_422 = arith.muli %add3A_409, %mul3A_421 : i32
      %add3A_423 = arith.addi %mul3A_2, %mul3A_422 : i32
      %add3A_424 = arith.constant 0 : i32
      %add3A_425 = arith.addi %add3A_423, %add3A_424 : i32
      %dma_start3A_426 = arith.constant 3 : i32
      %dma_start3A_427 = arith.constant 0 : i32
      %dma_start3A_428 = arith.constant 0 : i32
      %dma_start3A_429 = tpu.memref_slice %arg6[%dma_start3A_426, %dma_start3A_427, %dma_start3A_428] : memref<4x100x128xf32, #tpu.memory_space<vmem>> -> memref<1x50x128xf32, #tpu.memory_space<vmem>>
      %dma_start3A_430 = tpu.memref_squeeze %dma_start3A_429 : memref<1x50x128xf32, #tpu.memory_space<vmem>> -> memref<50x128xf32, #tpu.memory_space<vmem>>
      %dma_start3A_431 = arith.constant 0 : i32
      %dma_start3A_432 = arith.constant 0 : i32
      %dma_start3A_433 = tpu.memref_slice %arg4[%add3A_425, %dma_start3A_431, %dma_start3A_432] : memref<16384x50x128xf32, #tpu.memory_space<hbm>> -> memref<1x50x128xf32, #tpu.memory_space<hbm>>
      %dma_start3A_434 = tpu.memref_squeeze %dma_start3A_433 : memref<1x50x128xf32, #tpu.memory_space<hbm>> -> memref<50x128xf32, #tpu.memory_space<hbm>>
      %dma_start3A_435 = arith.constant 0 : i32
      %dma_start3A_436 = arith.constant 0 : i32
      %dma_start3A_437 = tpu.memref_slice %arg4[%add3A_425, %dma_start3A_435, %dma_start3A_436] : memref<16384x50x128xf32, #tpu.memory_space<hbm>> -> memref<1x50x128xf32, #tpu.memory_space<hbm>>
      %dma_start3A_438 = tpu.memref_squeeze %dma_start3A_437 : memref<1x50x128xf32, #tpu.memory_space<hbm>> -> memref<50x128xf32, #tpu.memory_space<hbm>>
      %dma_start3A_439 = arith.constant 0 : i32
      %dma_start3A_440 = arith.constant 0 : i32
      %dma_start3A_441 = tpu.memref_slice %arg6[%dma_start3A_426, %dma_start3A_439, %dma_start3A_440] : memref<4x100x128xf32, #tpu.memory_space<vmem>> -> memref<1x50x128xf32, #tpu.memory_space<vmem>>
      %dma_start3A_442 = tpu.memref_squeeze %dma_start3A_441 : memref<1x50x128xf32, #tpu.memory_space<vmem>> -> memref<50x128xf32, #tpu.memory_space<vmem>>
      tpu.enqueue_dma source(%dma_start3A_442 : memref<50x128xf32, #tpu.memory_space<vmem>>) target(%dma_start3A_438 : memref<50x128xf32, #tpu.memory_space<hbm>>) target_semaphore(%arg14 : memref<!tpu.dma_semaphore, #tpu.memory_space<semaphore_mem>>)
      %mul3A_443 = arith.constant 2 : i32
      %mul3A_444 = arith.muli %add3A_409, %mul3A_443 : i32
      %add3A_445 = arith.addi %mul3A_2, %mul3A_444 : i32
      %add3A_446 = arith.constant 1 : i32
      %add3A_447 = arith.addi %add3A_445, %add3A_446 : i32
      %dma_start3A_448 = arith.constant 3 : i32
      %dma_start3A_449 = arith.constant 50 : i32
      %dma_start3A_450 = arith.constant 0 : i32
      %dma_start3A_451 = tpu.memref_slice %arg6[%dma_start3A_448, %dma_start3A_449, %dma_start3A_450] : memref<4x100x128xf32, #tpu.memory_space<vmem>> -> memref<1x50x128xf32, #tpu.memory_space<vmem>>
      %dma_start3A_452 = tpu.memref_squeeze %dma_start3A_451 : memref<1x50x128xf32, #tpu.memory_space<vmem>> -> memref<50x128xf32, #tpu.memory_space<vmem>>
      %dma_start3A_453 = arith.constant 0 : i32
      %dma_start3A_454 = arith.constant 0 : i32
      %dma_start3A_455 = tpu.memref_slice %arg4[%add3A_447, %dma_start3A_453, %dma_start3A_454] : memref<16384x50x128xf32, #tpu.memory_space<hbm>> -> memref<1x50x128xf32, #tpu.memory_space<hbm>>
      %dma_start3A_456 = tpu.memref_squeeze %dma_start3A_455 : memref<1x50x128xf32, #tpu.memory_space<hbm>> -> memref<50x128xf32, #tpu.memory_space<hbm>>
      %dma_start3A_457 = arith.constant 0 : i32
      %dma_start3A_458 = arith.constant 0 : i32
      %dma_start3A_459 = tpu.memref_slice %arg4[%add3A_447, %dma_start3A_457, %dma_start3A_458] : memref<16384x50x128xf32, #tpu.memory_space<hbm>> -> memref<1x50x128xf32, #tpu.memory_space<hbm>>
      %dma_start3A_460 = tpu.memref_squeeze %dma_start3A_459 : memref<1x50x128xf32, #tpu.memory_space<hbm>> -> memref<50x128xf32, #tpu.memory_space<hbm>>
      %dma_start3A_461 = arith.constant 50 : i32
      %dma_start3A_462 = arith.constant 0 : i32
      %dma_start3A_463 = tpu.memref_slice %arg6[%dma_start3A_448, %dma_start3A_461, %dma_start3A_462] : memref<4x100x128xf32, #tpu.memory_space<vmem>> -> memref<1x50x128xf32, #tpu.memory_space<vmem>>
      %dma_start3A_464 = tpu.memref_squeeze %dma_start3A_463 : memref<1x50x128xf32, #tpu.memory_space<vmem>> -> memref<50x128xf32, #tpu.memory_space<vmem>>
      tpu.enqueue_dma source(%dma_start3A_464 : memref<50x128xf32, #tpu.memory_space<vmem>>) target(%dma_start3A_460 : memref<50x128xf32, #tpu.memory_space<hbm>>) target_semaphore(%arg14 : memref<!tpu.dma_semaphore, #tpu.memory_space<semaphore_mem>>)
      %add3A_465 = arith.constant 3 : i32
      %add3A_466 = arith.addi %add3A_409, %add3A_465 : i32
      %lt3A_467 = arith.constant 256 : i32
      %lt3A_468 = arith.cmpi slt, %add3A_466, %lt3A_467 : i32
      %convert_element_type3A_469 = arith.extui %lt3A_468 : i1 to i32
      %cond3A_470 = arith.constant 0 : i32
      %cond3A_471 = arith.cmpi ne, %convert_element_type3A_469, %cond3A_470 : i32
      scf.if %cond3A_471 {
        %ge3A = arith.constant 4 : i32
        %ge3A_472 = arith.cmpi sge, %add3A_466, %ge3A : i32
        %convert_element_type3A_473 = arith.extui %ge3A_472 : i1 to i32
        %cond3A_474 = arith.constant 0 : i32
        %cond3A_475 = arith.cmpi ne, %convert_element_type3A_473, %cond3A_474 : i32
        scf.if %cond3A_475 {
          %sub3A = arith.constant 4 : i32
          %sub3A_487 = arith.subi %add3A_466, %sub3A : i32
          %mul3A_488 = arith.constant 2 : i32
          %mul3A_489 = arith.muli %sub3A_487, %mul3A_488 : i32
          %add3A_490 = arith.addi %mul3A_2, %mul3A_489 : i32
          %add3A_491 = arith.constant 0 : i32
          %add3A_492 = arith.addi %add3A_490, %add3A_491 : i32
          %dma_wait3A_493 = arith.constant 2 : i32
          %dma_wait3A_494 = arith.constant 0 : i32
          %dma_wait3A_495 = arith.constant 0 : i32
          %dma_wait3A_496 = tpu.memref_slice %arg6[%dma_wait3A_493, %dma_wait3A_494, %dma_wait3A_495] : memref<4x100x128xf32, #tpu.memory_space<vmem>> -> memref<1x50x128xf32, #tpu.memory_space<vmem>>
          %dma_wait3A_497 = tpu.memref_squeeze %dma_wait3A_496 : memref<1x50x128xf32, #tpu.memory_space<vmem>> -> memref<50x128xf32, #tpu.memory_space<vmem>>
          %dma_wait3A_498 = arith.constant 0 : i32
          %dma_wait3A_499 = arith.constant 0 : i32
          %dma_wait3A_500 = tpu.memref_slice %arg4[%add3A_492, %dma_wait3A_498, %dma_wait3A_499] : memref<16384x50x128xf32, #tpu.memory_space<hbm>> -> memref<1x50x128xf32, #tpu.memory_space<hbm>>
          %dma_wait3A_501 = tpu.memref_squeeze %dma_wait3A_500 : memref<1x50x128xf32, #tpu.memory_space<hbm>> -> memref<50x128xf32, #tpu.memory_space<hbm>>
          %dma_wait3A_502 = arith.constant 0 : i32
          %dma_wait3A_503 = arith.constant 0 : i32
          %dma_wait3A_504 = tpu.memref_slice %arg4[%add3A_492, %dma_wait3A_502, %dma_wait3A_503] : memref<16384x50x128xf32, #tpu.memory_space<hbm>> -> memref<1x50x128xf32, #tpu.memory_space<hbm>>
          %dma_wait3A_505 = tpu.memref_squeeze %dma_wait3A_504 : memref<1x50x128xf32, #tpu.memory_space<hbm>> -> memref<50x128xf32, #tpu.memory_space<hbm>>
          %dma_wait3A_506 = arith.constant 0 : i32
          %dma_wait3A_507 = arith.constant 0 : i32
          %dma_wait3A_508 = tpu.memref_slice %arg6[%dma_wait3A_493, %dma_wait3A_506, %dma_wait3A_507] : memref<4x100x128xf32, #tpu.memory_space<vmem>> -> memref<1x50x128xf32, #tpu.memory_space<vmem>>
          %dma_wait3A_509 = tpu.memref_squeeze %dma_wait3A_508 : memref<1x50x128xf32, #tpu.memory_space<vmem>> -> memref<50x128xf32, #tpu.memory_space<vmem>>
          tpu.wait_dma2 semaphore(%arg13 : memref<!tpu.dma_semaphore, #tpu.memory_space<semaphore_mem>>) src(%dma_wait3A_509 : memref<50x128xf32, #tpu.memory_space<vmem>>) dst(%dma_wait3A_505 : memref<50x128xf32, #tpu.memory_space<hbm>>)
          %mul3A_510 = arith.constant 2 : i32
          %mul3A_511 = arith.muli %sub3A_487, %mul3A_510 : i32
          %add3A_512 = arith.addi %mul3A_2, %mul3A_511 : i32
          %add3A_513 = arith.constant 1 : i32
          %add3A_514 = arith.addi %add3A_512, %add3A_513 : i32
          %dma_wait3A_515 = arith.constant 2 : i32
          %dma_wait3A_516 = arith.constant 50 : i32
          %dma_wait3A_517 = arith.constant 0 : i32
          %dma_wait3A_518 = tpu.memref_slice %arg6[%dma_wait3A_515, %dma_wait3A_516, %dma_wait3A_517] : memref<4x100x128xf32, #tpu.memory_space<vmem>> -> memref<1x50x128xf32, #tpu.memory_space<vmem>>
          %dma_wait3A_519 = tpu.memref_squeeze %dma_wait3A_518 : memref<1x50x128xf32, #tpu.memory_space<vmem>> -> memref<50x128xf32, #tpu.memory_space<vmem>>
          %dma_wait3A_520 = arith.constant 0 : i32
          %dma_wait3A_521 = arith.constant 0 : i32
          %dma_wait3A_522 = tpu.memref_slice %arg4[%add3A_514, %dma_wait3A_520, %dma_wait3A_521] : memref<16384x50x128xf32, #tpu.memory_space<hbm>> -> memref<1x50x128xf32, #tpu.memory_space<hbm>>
          %dma_wait3A_523 = tpu.memref_squeeze %dma_wait3A_522 : memref<1x50x128xf32, #tpu.memory_space<hbm>> -> memref<50x128xf32, #tpu.memory_space<hbm>>
          %dma_wait3A_524 = arith.constant 0 : i32
          %dma_wait3A_525 = arith.constant 0 : i32
          %dma_wait3A_526 = tpu.memref_slice %arg4[%add3A_514, %dma_wait3A_524, %dma_wait3A_525] : memref<16384x50x128xf32, #tpu.memory_space<hbm>> -> memref<1x50x128xf32, #tpu.memory_space<hbm>>
          %dma_wait3A_527 = tpu.memref_squeeze %dma_wait3A_526 : memref<1x50x128xf32, #tpu.memory_space<hbm>> -> memref<50x128xf32, #tpu.memory_space<hbm>>
          %dma_wait3A_528 = arith.constant 50 : i32
          %dma_wait3A_529 = arith.constant 0 : i32
          %dma_wait3A_530 = tpu.memref_slice %arg6[%dma_wait3A_515, %dma_wait3A_528, %dma_wait3A_529] : memref<4x100x128xf32, #tpu.memory_space<vmem>> -> memref<1x50x128xf32, #tpu.memory_space<vmem>>
          %dma_wait3A_531 = tpu.memref_squeeze %dma_wait3A_530 : memref<1x50x128xf32, #tpu.memory_space<vmem>> -> memref<50x128xf32, #tpu.memory_space<vmem>>
          tpu.wait_dma2 semaphore(%arg13 : memref<!tpu.dma_semaphore, #tpu.memory_space<semaphore_mem>>) src(%dma_wait3A_531 : memref<50x128xf32, #tpu.memory_space<vmem>>) dst(%dma_wait3A_527 : memref<50x128xf32, #tpu.memory_space<hbm>>)
        } else {
        }
        %dma_start3A_476 = arith.constant 2 : i32
        %dma_start3A_477 = arith.constant 0 : i32
        %dma_start3A_478 = arith.constant 0 : i32
        %dma_start3A_479 = tpu.memref_slice %arg6[%dma_start3A_476, %dma_start3A_477, %dma_start3A_478] : memref<4x100x128xf32, #tpu.memory_space<vmem>> -> memref<1x100x128xf32, #tpu.memory_space<vmem>>
        %dma_start3A_480 = tpu.memref_squeeze %dma_start3A_479 : memref<1x100x128xf32, #tpu.memory_space<vmem>> -> memref<100x128xf32, #tpu.memory_space<vmem>>
        %dma_start3A_481 = arith.constant 0 : i32
        %dma_start3A_482 = tpu.memref_slice %arg5[%add3A_466, %dma_start3A_481] : memref<256x100xi32, #tpu.memory_space<vmem>> -> memref<1x100xi32, #tpu.memory_space<vmem>>
        %dma_start3A_483 = tpu.memref_squeeze %dma_start3A_482 : memref<1x100xi32, #tpu.memory_space<vmem>> -> memref<100xi32, #tpu.memory_space<vmem>>
        %dma_start3A_484 = arith.constant 0 : i32
        %dma_start3A_485 = arith.constant 0 : i32
        %dma_start3A_486 = tpu.memref_slice %arg2[%dma_start3A_484, %dma_start3A_485] : memref<1000000x128xf32, #tpu.memory_space<hbm>> -> memref<1000000x128xf32, #tpu.memory_space<hbm>>
        tpu.enqueue_indirect_dma source(%dma_start3A_486 : memref<1000000x128xf32, #tpu.memory_space<hbm>>) target(%dma_start3A_480 : memref<100x128xf32, #tpu.memory_space<vmem>>) offsets(%dma_start3A_483 : memref<100xi32, #tpu.memory_space<vmem>>) semaphore(%arg9 : memref<!tpu.dma_semaphore, #tpu.memory_space<semaphore_mem>>)
      } else {
      }
    }
    %scan3A_42 = arith.constant 64 : i32
    %add3A_43 = arith.constant 504 : i32
    %add3A_44 = arith.addi %mul3A_2, %add3A_43 : i32
    %add3A_45 = arith.constant 0 : i32
    %add3A_46 = arith.addi %add3A_44, %add3A_45 : i32
    %dma_wait3A = arith.constant 0 : i32
    %dma_wait3A_47 = arith.constant 0 : i32
    %dma_wait3A_48 = arith.constant 0 : i32
    %dma_wait3A_49 = tpu.memref_slice %arg6[%dma_wait3A, %dma_wait3A_47, %dma_wait3A_48] : memref<4x100x128xf32, #tpu.memory_space<vmem>> -> memref<1x50x128xf32, #tpu.memory_space<vmem>>
    %dma_wait3A_50 = tpu.memref_squeeze %dma_wait3A_49 : memref<1x50x128xf32, #tpu.memory_space<vmem>> -> memref<50x128xf32, #tpu.memory_space<vmem>>
    %dma_wait3A_51 = arith.constant 0 : i32
    %dma_wait3A_52 = arith.constant 0 : i32
    %dma_wait3A_53 = tpu.memref_slice %arg4[%add3A_46, %dma_wait3A_51, %dma_wait3A_52] : memref<16384x50x128xf32, #tpu.memory_space<hbm>> -> memref<1x50x128xf32, #tpu.memory_space<hbm>>
    %dma_wait3A_54 = tpu.memref_squeeze %dma_wait3A_53 : memref<1x50x128xf32, #tpu.memory_space<hbm>> -> memref<50x128xf32, #tpu.memory_space<hbm>>
    %dma_wait3A_55 = arith.constant 0 : i32
    %dma_wait3A_56 = arith.constant 0 : i32
    %dma_wait3A_57 = tpu.memref_slice %arg4[%add3A_46, %dma_wait3A_55, %dma_wait3A_56] : memref<16384x50x128xf32, #tpu.memory_space<hbm>> -> memref<1x50x128xf32, #tpu.memory_space<hbm>>
    %dma_wait3A_58 = tpu.memref_squeeze %dma_wait3A_57 : memref<1x50x128xf32, #tpu.memory_space<hbm>> -> memref<50x128xf32, #tpu.memory_space<hbm>>
    %dma_wait3A_59 = arith.constant 0 : i32
    %dma_wait3A_60 = arith.constant 0 : i32
    %dma_wait3A_61 = tpu.memref_slice %arg6[%dma_wait3A, %dma_wait3A_59, %dma_wait3A_60] : memref<4x100x128xf32, #tpu.memory_space<vmem>> -> memref<1x50x128xf32, #tpu.memory_space<vmem>>
    %dma_wait3A_62 = tpu.memref_squeeze %dma_wait3A_61 : memref<1x50x128xf32, #tpu.memory_space<vmem>> -> memref<50x128xf32, #tpu.memory_space<vmem>>
    tpu.wait_dma2 semaphore(%arg11 : memref<!tpu.dma_semaphore, #tpu.memory_space<semaphore_mem>>) src(%dma_wait3A_62 : memref<50x128xf32, #tpu.memory_space<vmem>>) dst(%dma_wait3A_58 : memref<50x128xf32, #tpu.memory_space<hbm>>)
    %add3A_63 = arith.constant 504 : i32
    %add3A_64 = arith.addi %mul3A_2, %add3A_63 : i32
    %add3A_65 = arith.constant 1 : i32
    %add3A_66 = arith.addi %add3A_64, %add3A_65 : i32
    %dma_wait3A_67 = arith.constant 0 : i32
    %dma_wait3A_68 = arith.constant 50 : i32
    %dma_wait3A_69 = arith.constant 0 : i32
    %dma_wait3A_70 = tpu.memref_slice %arg6[%dma_wait3A_67, %dma_wait3A_68, %dma_wait3A_69] : memref<4x100x128xf32, #tpu.memory_space<vmem>> -> memref<1x50x128xf32, #tpu.memory_space<vmem>>
    %dma_wait3A_71 = tpu.memref_squeeze %dma_wait3A_70 : memref<1x50x128xf32, #tpu.memory_space<vmem>> -> memref<50x128xf32, #tpu.memory_space<vmem>>
    %dma_wait3A_72 = arith.constant 0 : i32
    %dma_wait3A_73 = arith.constant 0 : i32
    %dma_wait3A_74 = tpu.memref_slice %arg4[%add3A_66, %dma_wait3A_72, %dma_wait3A_73] : memref<16384x50x128xf32, #tpu.memory_space<hbm>> -> memref<1x50x128xf32, #tpu.memory_space<hbm>>
    %dma_wait3A_75 = tpu.memref_squeeze %dma_wait3A_74 : memref<1x50x128xf32, #tpu.memory_space<hbm>> -> memref<50x128xf32, #tpu.memory_space<hbm>>
    %dma_wait3A_76 = arith.constant 0 : i32
    %dma_wait3A_77 = arith.constant 0 : i32
    %dma_wait3A_78 = tpu.memref_slice %arg4[%add3A_66, %dma_wait3A_76, %dma_wait3A_77] : memref<16384x50x128xf32, #tpu.memory_space<hbm>> -> memref<1x50x128xf32, #tpu.memory_space<hbm>>
    %dma_wait3A_79 = tpu.memref_squeeze %dma_wait3A_78 : memref<1x50x128xf32, #tpu.memory_space<hbm>> -> memref<50x128xf32, #tpu.memory_space<hbm>>
    %dma_wait3A_80 = arith.constant 50 : i32
    %dma_wait3A_81 = arith.constant 0 : i32
    %dma_wait3A_82 = tpu.memref_slice %arg6[%dma_wait3A_67, %dma_wait3A_80, %dma_wait3A_81] : memref<4x100x128xf32, #tpu.memory_space<vmem>> -> memref<1x50x128xf32, #tpu.memory_space<vmem>>
    %dma_wait3A_83 = tpu.memref_squeeze %dma_wait3A_82 : memref<1x50x128xf32, #tpu.memory_space<vmem>> -> memref<50x128xf32, #tpu.memory_space<vmem>>
    tpu.wait_dma2 semaphore(%arg11 : memref<!tpu.dma_semaphore, #tpu.memory_space<semaphore_mem>>) src(%dma_wait3A_83 : memref<50x128xf32, #tpu.memory_space<vmem>>) dst(%dma_wait3A_79 : memref<50x128xf32, #tpu.memory_space<hbm>>)
    %add3A_84 = arith.constant 506 : i32
    %add3A_85 = arith.addi %mul3A_2, %add3A_84 : i32
    %add3A_86 = arith.constant 0 : i32
    %add3A_87 = arith.addi %add3A_85, %add3A_86 : i32
    %dma_wait3A_88 = arith.constant 1 : i32
    %dma_wait3A_89 = arith.constant 0 : i32
    %dma_wait3A_90 = arith.constant 0 : i32
    %dma_wait3A_91 = tpu.memref_slice %arg6[%dma_wait3A_88, %dma_wait3A_89, %dma_wait3A_90] : memref<4x100x128xf32, #tpu.memory_space<vmem>> -> memref<1x50x128xf32, #tpu.memory_space<vmem>>
    %dma_wait3A_92 = tpu.memref_squeeze %dma_wait3A_91 : memref<1x50x128xf32, #tpu.memory_space<vmem>> -> memref<50x128xf32, #tpu.memory_space<vmem>>
    %dma_wait3A_93 = arith.constant 0 : i32
    %dma_wait3A_94 = arith.constant 0 : i32
    %dma_wait3A_95 = tpu.memref_slice %arg4[%add3A_87, %dma_wait3A_93, %dma_wait3A_94] : memref<16384x50x128xf32, #tpu.memory_space<hbm>> -> memref<1x50x128xf32, #tpu.memory_space<hbm>>
    %dma_wait3A_96 = tpu.memref_squeeze %dma_wait3A_95 : memref<1x50x128xf32, #tpu.memory_space<hbm>> -> memref<50x128xf32, #tpu.memory_space<hbm>>
    %dma_wait3A_97 = arith.constant 0 : i32
    %dma_wait3A_98 = arith.constant 0 : i32
    %dma_wait3A_99 = tpu.memref_slice %arg4[%add3A_87, %dma_wait3A_97, %dma_wait3A_98] : memref<16384x50x128xf32, #tpu.memory_space<hbm>> -> memref<1x50x128xf32, #tpu.memory_space<hbm>>
    %dma_wait3A_100 = tpu.memref_squeeze %dma_wait3A_99 : memref<1x50x128xf32, #tpu.memory_space<hbm>> -> memref<50x128xf32, #tpu.memory_space<hbm>>
    %dma_wait3A_101 = arith.constant 0 : i32
    %dma_wait3A_102 = arith.constant 0 : i32
    %dma_wait3A_103 = tpu.memref_slice %arg6[%dma_wait3A_88, %dma_wait3A_101, %dma_wait3A_102] : memref<4x100x128xf32, #tpu.memory_space<vmem>> -> memref<1x50x128xf32, #tpu.memory_space<vmem>>
    %dma_wait3A_104 = tpu.memref_squeeze %dma_wait3A_103 : memref<1x50x128xf32, #tpu.memory_space<vmem>> -> memref<50x128xf32, #tpu.memory_space<vmem>>
    tpu.wait_dma2 semaphore(%arg12 : memref<!tpu.dma_semaphore, #tpu.memory_space<semaphore_mem>>) src(%dma_wait3A_104 : memref<50x128xf32, #tpu.memory_space<vmem>>) dst(%dma_wait3A_100 : memref<50x128xf32, #tpu.memory_space<hbm>>)
    %add3A_105 = arith.constant 506 : i32
    %add3A_106 = arith.addi %mul3A_2, %add3A_105 : i32
    %add3A_107 = arith.constant 1 : i32
    %add3A_108 = arith.addi %add3A_106, %add3A_107 : i32
    %dma_wait3A_109 = arith.constant 1 : i32
    %dma_wait3A_110 = arith.constant 50 : i32
    %dma_wait3A_111 = arith.constant 0 : i32
    %dma_wait3A_112 = tpu.memref_slice %arg6[%dma_wait3A_109, %dma_wait3A_110, %dma_wait3A_111] : memref<4x100x128xf32, #tpu.memory_space<vmem>> -> memref<1x50x128xf32, #tpu.memory_space<vmem>>
    %dma_wait3A_113 = tpu.memref_squeeze %dma_wait3A_112 : memref<1x50x128xf32, #tpu.memory_space<vmem>> -> memref<50x128xf32, #tpu.memory_space<vmem>>
    %dma_wait3A_114 = arith.constant 0 : i32
    %dma_wait3A_115 = arith.constant 0 : i32
    %dma_wait3A_116 = tpu.memref_slice %arg4[%add3A_108, %dma_wait3A_114, %dma_wait3A_115] : memref<16384x50x128xf32, #tpu.memory_space<hbm>> -> memref<1x50x128xf32, #tpu.memory_space<hbm>>
    %dma_wait3A_117 = tpu.memref_squeeze %dma_wait3A_116 : memref<1x50x128xf32, #tpu.memory_space<hbm>> -> memref<50x128xf32, #tpu.memory_space<hbm>>
    %dma_wait3A_118 = arith.constant 0 : i32
    %dma_wait3A_119 = arith.constant 0 : i32
    %dma_wait3A_120 = tpu.memref_slice %arg4[%add3A_108, %dma_wait3A_118, %dma_wait3A_119] : memref<16384x50x128xf32, #tpu.memory_space<hbm>> -> memref<1x50x128xf32, #tpu.memory_space<hbm>>
    %dma_wait3A_121 = tpu.memref_squeeze %dma_wait3A_120 : memref<1x50x128xf32, #tpu.memory_space<hbm>> -> memref<50x128xf32, #tpu.memory_space<hbm>>
    %dma_wait3A_122 = arith.constant 50 : i32
    %dma_wait3A_123 = arith.constant 0 : i32
    %dma_wait3A_124 = tpu.memref_slice %arg6[%dma_wait3A_109, %dma_wait3A_122, %dma_wait3A_123] : memref<4x100x128xf32, #tpu.memory_space<vmem>> -> memref<1x50x128xf32, #tpu.memory_space<vmem>>
    %dma_wait3A_125 = tpu.memref_squeeze %dma_wait3A_124 : memref<1x50x128xf32, #tpu.memory_space<vmem>> -> memref<50x128xf32, #tpu.memory_space<vmem>>
    tpu.wait_dma2 semaphore(%arg12 : memref<!tpu.dma_semaphore, #tpu.memory_space<semaphore_mem>>) src(%dma_wait3A_125 : memref<50x128xf32, #tpu.memory_space<vmem>>) dst(%dma_wait3A_121 : memref<50x128xf32, #tpu.memory_space<hbm>>)
    %add3A_126 = arith.constant 508 : i32
    %add3A_127 = arith.addi %mul3A_2, %add3A_126 : i32
    %add3A_128 = arith.constant 0 : i32
    %add3A_129 = arith.addi %add3A_127, %add3A_128 : i32
    %dma_wait3A_130 = arith.constant 2 : i32
    %dma_wait3A_131 = arith.constant 0 : i32
    %dma_wait3A_132 = arith.constant 0 : i32
    %dma_wait3A_133 = tpu.memref_slice %arg6[%dma_wait3A_130, %dma_wait3A_131, %dma_wait3A_132] : memref<4x100x128xf32, #tpu.memory_space<vmem>> -> memref<1x50x128xf32, #tpu.memory_space<vmem>>
    %dma_wait3A_134 = tpu.memref_squeeze %dma_wait3A_133 : memref<1x50x128xf32, #tpu.memory_space<vmem>> -> memref<50x128xf32, #tpu.memory_space<vmem>>
    %dma_wait3A_135 = arith.constant 0 : i32
    %dma_wait3A_136 = arith.constant 0 : i32
    %dma_wait3A_137 = tpu.memref_slice %arg4[%add3A_129, %dma_wait3A_135, %dma_wait3A_136] : memref<16384x50x128xf32, #tpu.memory_space<hbm>> -> memref<1x50x128xf32, #tpu.memory_space<hbm>>
    %dma_wait3A_138 = tpu.memref_squeeze %dma_wait3A_137 : memref<1x50x128xf32, #tpu.memory_space<hbm>> -> memref<50x128xf32, #tpu.memory_space<hbm>>
    %dma_wait3A_139 = arith.constant 0 : i32
    %dma_wait3A_140 = arith.constant 0 : i32
    %dma_wait3A_141 = tpu.memref_slice %arg4[%add3A_129, %dma_wait3A_139, %dma_wait3A_140] : memref<16384x50x128xf32, #tpu.memory_space<hbm>> -> memref<1x50x128xf32, #tpu.memory_space<hbm>>
    %dma_wait3A_142 = tpu.memref_squeeze %dma_wait3A_141 : memref<1x50x128xf32, #tpu.memory_space<hbm>> -> memref<50x128xf32, #tpu.memory_space<hbm>>
    %dma_wait3A_143 = arith.constant 0 : i32
    %dma_wait3A_144 = arith.constant 0 : i32
    %dma_wait3A_145 = tpu.memref_slice %arg6[%dma_wait3A_130, %dma_wait3A_143, %dma_wait3A_144] : memref<4x100x128xf32, #tpu.memory_space<vmem>> -> memref<1x50x128xf32, #tpu.memory_space<vmem>>
    %dma_wait3A_146 = tpu.memref_squeeze %dma_wait3A_145 : memref<1x50x128xf32, #tpu.memory_space<vmem>> -> memref<50x128xf32, #tpu.memory_space<vmem>>
    tpu.wait_dma2 semaphore(%arg13 : memref<!tpu.dma_semaphore, #tpu.memory_space<semaphore_mem>>) src(%dma_wait3A_146 : memref<50x128xf32, #tpu.memory_space<vmem>>) dst(%dma_wait3A_142 : memref<50x128xf32, #tpu.memory_space<hbm>>)
    %add3A_147 = arith.constant 508 : i32
    %add3A_148 = arith.addi %mul3A_2, %add3A_147 : i32
    %add3A_149 = arith.constant 1 : i32
    %add3A_150 = arith.addi %add3A_148, %add3A_149 : i32
    %dma_wait3A_151 = arith.constant 2 : i32
    %dma_wait3A_152 = arith.constant 50 : i32
    %dma_wait3A_153 = arith.constant 0 : i32
    %dma_wait3A_154 = tpu.memref_slice %arg6[%dma_wait3A_151, %dma_wait3A_152, %dma_wait3A_153] : memref<4x100x128xf32, #tpu.memory_space<vmem>> -> memref<1x50x128xf32, #tpu.memory_space<vmem>>
    %dma_wait3A_155 = tpu.memref_squeeze %dma_wait3A_154 : memref<1x50x128xf32, #tpu.memory_space<vmem>> -> memref<50x128xf32, #tpu.memory_space<vmem>>
    %dma_wait3A_156 = arith.constant 0 : i32
    %dma_wait3A_157 = arith.constant 0 : i32
    %dma_wait3A_158 = tpu.memref_slice %arg4[%add3A_150, %dma_wait3A_156, %dma_wait3A_157] : memref<16384x50x128xf32, #tpu.memory_space<hbm>> -> memref<1x50x128xf32, #tpu.memory_space<hbm>>
    %dma_wait3A_159 = tpu.memref_squeeze %dma_wait3A_158 : memref<1x50x128xf32, #tpu.memory_space<hbm>> -> memref<50x128xf32, #tpu.memory_space<hbm>>
    %dma_wait3A_160 = arith.constant 0 : i32
    %dma_wait3A_161 = arith.constant 0 : i32
    %dma_wait3A_162 = tpu.memref_slice %arg4[%add3A_150, %dma_wait3A_160, %dma_wait3A_161] : memref<16384x50x128xf32, #tpu.memory_space<hbm>> -> memref<1x50x128xf32, #tpu.memory_space<hbm>>
    %dma_wait3A_163 = tpu.memref_squeeze %dma_wait3A_162 : memref<1x50x128xf32, #tpu.memory_space<hbm>> -> memref<50x128xf32, #tpu.memory_space<hbm>>
    %dma_wait3A_164 = arith.constant 50 : i32
    %dma_wait3A_165 = arith.constant 0 : i32
    %dma_wait3A_166 = tpu.memref_slice %arg6[%dma_wait3A_151, %dma_wait3A_164, %dma_wait3A_165] : memref<4x100x128xf32, #tpu.memory_space<vmem>> -> memref<1x50x128xf32, #tpu.memory_space<vmem>>
    %dma_wait3A_167 = tpu.memref_squeeze %dma_wait3A_166 : memref<1x50x128xf32, #tpu.memory_space<vmem>> -> memref<50x128xf32, #tpu.memory_space<vmem>>
    tpu.wait_dma2 semaphore(%arg13 : memref<!tpu.dma_semaphore, #tpu.memory_space<semaphore_mem>>) src(%dma_wait3A_167 : memref<50x128xf32, #tpu.memory_space<vmem>>) dst(%dma_wait3A_163 : memref<50x128xf32, #tpu.memory_space<hbm>>)
    %add3A_168 = arith.constant 510 : i32
    %add3A_169 = arith.addi %mul3A_2, %add3A_168 : i32
    %add3A_170 = arith.constant 0 : i32
    %add3A_171 = arith.addi %add3A_169, %add3A_170 : i32
    %dma_wait3A_172 = arith.constant 3 : i32
    %dma_wait3A_173 = arith.constant 0 : i32
    %dma_wait3A_174 = arith.constant 0 : i32
    %dma_wait3A_175 = tpu.memref_slice %arg6[%dma_wait3A_172, %dma_wait3A_173, %dma_wait3A_174] : memref<4x100x128xf32, #tpu.memory_space<vmem>> -> memref<1x50x128xf32, #tpu.memory_space<vmem>>
    %dma_wait3A_176 = tpu.memref_squeeze %dma_wait3A_175 : memref<1x50x128xf32, #tpu.memory_space<vmem>> -> memref<50x128xf32, #tpu.memory_space<vmem>>
    %dma_wait3A_177 = arith.constant 0 : i32
    %dma_wait3A_178 = arith.constant 0 : i32
    %dma_wait3A_179 = tpu.memref_slice %arg4[%add3A_171, %dma_wait3A_177, %dma_wait3A_178] : memref<16384x50x128xf32, #tpu.memory_space<hbm>> -> memref<1x50x128xf32, #tpu.memory_space<hbm>>
    %dma_wait3A_180 = tpu.memref_squeeze %dma_wait3A_179 : memref<1x50x128xf32, #tpu.memory_space<hbm>> -> memref<50x128xf32, #tpu.memory_space<hbm>>
    %dma_wait3A_181 = arith.constant 0 : i32
    %dma_wait3A_182 = arith.constant 0 : i32
    %dma_wait3A_183 = tpu.memref_slice %arg4[%add3A_171, %dma_wait3A_181, %dma_wait3A_182] : memref<16384x50x128xf32, #tpu.memory_space<hbm>> -> memref<1x50x128xf32, #tpu.memory_space<hbm>>
    %dma_wait3A_184 = tpu.memref_squeeze %dma_wait3A_183 : memref<1x50x128xf32, #tpu.memory_space<hbm>> -> memref<50x128xf32, #tpu.memory_space<hbm>>
    %dma_wait3A_185 = arith.constant 0 : i32
    %dma_wait3A_186 = arith.constant 0 : i32
    %dma_wait3A_187 = tpu.memref_slice %arg6[%dma_wait3A_172, %dma_wait3A_185, %dma_wait3A_186] : memref<4x100x128xf32, #tpu.memory_space<vmem>> -> memref<1x50x128xf32, #tpu.memory_space<vmem>>
    %dma_wait3A_188 = tpu.memref_squeeze %dma_wait3A_187 : memref<1x50x128xf32, #tpu.memory_space<vmem>> -> memref<50x128xf32, #tpu.memory_space<vmem>>
    tpu.wait_dma2 semaphore(%arg14 : memref<!tpu.dma_semaphore, #tpu.memory_space<semaphore_mem>>) src(%dma_wait3A_188 : memref<50x128xf32, #tpu.memory_space<vmem>>) dst(%dma_wait3A_184 : memref<50x128xf32, #tpu.memory_space<hbm>>)
    %add3A_189 = arith.constant 510 : i32
    %add3A_190 = arith.addi %mul3A_2, %add3A_189 : i32
    %add3A_191 = arith.constant 1 : i32
    %add3A_192 = arith.addi %add3A_190, %add3A_191 : i32
    %dma_wait3A_193 = arith.constant 3 : i32
    %dma_wait3A_194 = arith.constant 50 : i32
    %dma_wait3A_195 = arith.constant 0 : i32
    %dma_wait3A_196 = tpu.memref_slice %arg6[%dma_wait3A_193, %dma_wait3A_194, %dma_wait3A_195] : memref<4x100x128xf32, #tpu.memory_space<vmem>> -> memref<1x50x128xf32, #tpu.memory_space<vmem>>
    %dma_wait3A_197 = tpu.memref_squeeze %dma_wait3A_196 : memref<1x50x128xf32, #tpu.memory_space<vmem>> -> memref<50x128xf32, #tpu.memory_space<vmem>>
    %dma_wait3A_198 = arith.constant 0 : i32
    %dma_wait3A_199 = arith.constant 0 : i32
    %dma_wait3A_200 = tpu.memref_slice %arg4[%add3A_192, %dma_wait3A_198, %dma_wait3A_199] : memref<16384x50x128xf32, #tpu.memory_space<hbm>> -> memref<1x50x128xf32, #tpu.memory_space<hbm>>
    %dma_wait3A_201 = tpu.memref_squeeze %dma_wait3A_200 : memref<1x50x128xf32, #tpu.memory_space<hbm>> -> memref<50x128xf32, #tpu.memory_space<hbm>>
    %dma_wait3A_202 = arith.constant 0 : i32
    %dma_wait3A_203 = arith.constant 0 : i32
    %dma_wait3A_204 = tpu.memref_slice %arg4[%add3A_192, %dma_wait3A_202, %dma_wait3A_203] : memref<16384x50x128xf32, #tpu.memory_space<hbm>> -> memref<1x50x128xf32, #tpu.memory_space<hbm>>
    %dma_wait3A_205 = tpu.memref_squeeze %dma_wait3A_204 : memref<1x50x128xf32, #tpu.memory_space<hbm>> -> memref<50x128xf32, #tpu.memory_space<hbm>>
    %dma_wait3A_206 = arith.constant 50 : i32
    %dma_wait3A_207 = arith.constant 0 : i32
    %dma_wait3A_208 = tpu.memref_slice %arg6[%dma_wait3A_193, %dma_wait3A_206, %dma_wait3A_207] : memref<4x100x128xf32, #tpu.memory_space<vmem>> -> memref<1x50x128xf32, #tpu.memory_space<vmem>>
    %dma_wait3A_209 = tpu.memref_squeeze %dma_wait3A_208 : memref<1x50x128xf32, #tpu.memory_space<vmem>> -> memref<50x128xf32, #tpu.memory_space<vmem>>
    tpu.wait_dma2 semaphore(%arg14 : memref<!tpu.dma_semaphore, #tpu.memory_space<semaphore_mem>>) src(%dma_wait3A_209 : memref<50x128xf32, #tpu.memory_space<vmem>>) dst(%dma_wait3A_205 : memref<50x128xf32, #tpu.memory_space<hbm>>)
    return
  }
}

</mosaic_0001>

<sc_bundles>
// kernel: kernel.3.cloned.1.call-start
scs
__scs_entry_jumppad:
0x0: {  	(pc) =	sbr.rel $0x88, $3  }
0x1: {  	(tag) =	ssettag $0x0;
	lr =	simm.s32 $0x1  }
0x2: {  	[smem:$0x3F9F] =	sst lr;
	_ =	strace $0xD0000000  }
0x3: {  	_ = 	snop  }
0x4: {  	_ = 	snop  }
0x5: {  	_ = 	snop  }
0x6: {  	_ = 	snop  }
0x7: {  	_ = 	snop  }
__scs_overlays_trampoline_lowered:
0x8: {  	[smem:$0x3FAE] =	sst s0  }
0x9: {  	[smem:$0x3FAF] =	sst s1  }
0xa: {  	[smem:$0x3FB0] =	sst s2  }
0xb: {  	[smem:$0x3FB1] =	sst s3  }
0xc: {  	[smem:$0x3FB2] =	sst s4  }
0xd: {  	[smem:$0x3FB3] =	sst s5  }
0xe: {  	[smem:$0x3FB4] =	sst s6  }
0xf: {  	[smem:$0x3FB5] =	sst s7  }
0x10: {  	[smem:$0x3FB6] =	sst s8  }
0x11: {  	[smem:$0x3FB7] =	sst s9;
	s0 =	simm.s32 @!p0 $0x0  }
0x12: {  	s1 =	sld [smem:$0x3F9D];
	s0 =	simm.s32 @p0 $0x1  }
0x13: {  	[smem:$0x3FB8] =	sst s0;
	s0 =	simm.s32 @!p1 $0x0  }
0x14: {  	s2 =	sld [smem:$0x3F9C];
	s0 =	simm.s32 @p1 $0x1  }
0x15: {  	[smem:$0x3FB9] =	sst s0;
	s0 =	simm.s32 @!p2 $0x0  }
0x16: {  	s3 =	sld [smem:$0x3FDB];
	s0 =	simm.s32 @p2 $0x1  }
0x17: {  	s4 =	simm.s32 $0x1BF5;
	[smem:$0x3FBB] =	sst s0  }
0x18: {  	s0 =	sld [smem:$0x3F9E];
	_ =	swait.ge [sflag:s4], $0x0  }
0x19: {  	s7 =	sld [smem:$0x3F9F]  }
0x1a: {  	s8 =	sadd.s32 $0xFFFFE003, lr  }
0x1b: {  	s9 =	sadd.s32 $0xFFFFFEF7, lr;
	s5 =	simm.s32 $0xFFFFFFFF;
	p2 =	slt.u32 s8, $0xFFFFF086  }
0x1c: {  	p1 =	slt.u32 s9, $0xF7A;
	s5 =	simm.s32 @!p2 $0x0  }
0x1d: {  	s5 =	simm.s32 @p1 $0x1;
	p0 =	seq.s32 s7, s2  }
0x1e: {  	s7 =	smul.u32 @!p0 $0xF7A, s2;
	p2 =	seq.s32 @!p0 s5, $0x0  }
0x1f: {  	s9 =	smul.u32 $0xF7A, s1;
	s8 =	simm.s32 @!p0 $0x1BF5;
	p2 =	por !p2, p0  }
0x20: {  	[sflag:s8] =	ssyncset.s32 @!p0 $0xFFFFF086;
	s6 =	sadd.s32 @!p0 s3, s7;
	s7 =	simm.s32 @!p0 $0x108  }
0x21: {  	s3 =	sadd.s32 s3, s9;
	s6 =	sadd.s32 @!p0 $0x88, s6;
	s7 =	simm.s32 @p2 $0x1082  }
0x22: {  	[simem:s7], [sflag:s8] =	dma.local @!p0 [hbm:s6], $0xF7A  }
0x23: {  	s9 =	sor.u32 $0xD0000000, s2;
	s6 =	simm.s32 $0x108;
	_ =	swait.ge @!p0 [sflag:s8], $0x0  }
0x24: {  	s3 =	sadd.s32 $0x88, s3;
	s6 =	simm.s32 @!p1 $0x1082;
	[sflag:s4] =	ssyncset.s32 $0xFFFFF086  }
0x25: {  	[simem:s6], [sflag:s4] =	dma.local [hbm:s3], $0xF7A  }
0x26: {  	[smem:$0x3F9F] =	sst s1;
	(tag) =	ssettag s2;
	_ =	strace s9  }
0x27: {  	s1 =	sld [smem:$0x3FAF]  }
0x28: {  	s2 =	sld [smem:$0x3FB0]  }
0x29: {  	s4 =	sld [smem:$0x3FB2]  }
0x2a: {  	p0 =	seq.s32 s5, $0x0;
	s5 =	sld [smem:$0x3FB3]  }
0x2b: {  	s6 =	sld [smem:$0x3FB4]  }
0x2c: {  	s7 =	sld [smem:$0x3FB5]  }
0x2d: {  	s3 =	simm.s32 $0x108;
	s8 =	sld [smem:$0x3FB6]  }
0x2e: {  	s3 =	simm.s32 @!p0 $0x1082;
	s9 =	sld [smem:$0x3FB7]  }
0x2f: {  	lr =	sadd.s32 s0, s3;
	s0 =	sld [smem:$0x3FAE]  }
0x30: {  	s3 =	sld [smem:$0x3FB1]  }
0x31: {  	[smem:$0x3FBA] =	sst s10  }
0x32: {  	s10 =	sld [smem:$0x3FB8];
	_ =	sdelay $0x3  }
0x33: {  	p0 =	seq.s32 s10, $0x1;
	s10 =	sld [smem:$0x3FBA];
	_ =	sdelay $0x3  }
0x34: {  	[smem:$0x3FBA] =	sst s10  }
0x35: {  	s10 =	sld [smem:$0x3FB9];
	_ =	sdelay $0x3  }
0x36: {  	p1 =	seq.s32 s10, $0x1;
	s10 =	sld [smem:$0x3FBA];
	_ =	sdelay $0x3  }
0x37: {  	[smem:$0x3FBA] =	sst s10  }
0x38: {  	s10 =	sld [smem:$0x3FBB]  }
0x39: {  	_ = 	snop;
	(pc) =	sbr.ind lr, $3  }
0x3a: {  	_ = 	snop  }
0x3b: {  	_ = 	snop  }
0x3c: {  	p2 =	seq.s32 s10, $0x1;
	s10 =	sld [smem:$0x3FBA]  }
0x3d: {  	_ =	shalt  }
0x3e: {  	_ =	shalt  }
0x3f: {  	_ =	shalt  }
0x40: {  	_ =	shalt  }
0x41: {  	_ =	shalt  }
0x42: {  	_ =	shalt  }
0x43: {  	_ =	shalt  }
0x44: {  	_ =	shalt  }
0x45: {  	_ =	shalt  }
0x46: {  	_ =	shalt  }
0x47: {  	_ =	shalt  }
0x48: {  	_ =	shalt  }
0x49: {  	_ =	shalt  }
0x4a: {  	_ =	shalt  }
0x4b: {  	_ =	shalt  }
0x4c: {  	_ =	shalt  }
0x4d: {  	_ =	shalt  }
0x4e: {  	_ =	shalt  }
0x4f: {  	_ =	shalt  }
0x50: {  	_ =	shalt  }
0x51: {  	_ =	shalt  }
0x52: {  	_ =	shalt  }
0x53: {  	_ =	shalt  }
0x54: {  	_ =	shalt  }
0x55: {  	_ =	shalt  }
0x56: {  	_ =	shalt  }
0x57: {  	_ =	shalt  }
0x58: {  	_ =	shalt  }
0x59: {  	_ =	shalt  }
0x5a: {  	_ =	shalt  }
0x5b: {  	_ =	shalt  }
0x5c: {  	_ =	shalt  }
0x5d: {  	_ =	shalt  }
0x5e: {  	_ =	shalt  }
0x5f: {  	_ =	shalt  }
0x60: {  	_ =	shalt  }
0x61: {  	_ =	shalt  }
0x62: {  	_ =	shalt  }
0x63: {  	_ =	shalt  }
0x64: {  	_ =	shalt  }
0x65: {  	_ =	shalt  }
0x66: {  	_ =	shalt  }
0x67: {  	_ =	shalt  }
0x68: {  	_ =	shalt  }
0x69: {  	_ =	shalt  }
0x6a: {  	_ =	shalt  }
0x6b: {  	_ =	shalt  }
0x6c: {  	_ =	shalt  }
0x6d: {  	_ =	shalt  }
0x6e: {  	_ =	shalt  }
0x6f: {  	_ =	shalt  }
0x70: {  	_ =	shalt  }
0x71: {  	_ =	shalt  }
0x72: {  	_ =	shalt  }
0x73: {  	_ =	shalt  }
0x74: {  	_ =	shalt  }
0x75: {  	_ =	shalt  }
0x76: {  	_ =	shalt  }
0x77: {  	_ =	shalt  }
0x78: {  	_ =	shalt  }
0x79: {  	_ =	shalt  }
0x7a: {  	_ =	shalt  }
0x7b: {  	_ =	shalt  }
0x7c: {  	_ =	shalt  }
0x7d: {  	_ =	shalt  }
0x7e: {  	_ =	shalt  }
0x7f: {  	_ =	shalt  }
0x80: {  	_ =	shalt  }
0x81: {  	_ =	shalt  }
0x82: {  	_ =	shalt  }
0x83: {  	_ =	shalt  }
0x84: {  	_ =	shalt  }
0x85: {  	_ =	shalt  }
0x86: {  	_ =	shalt  }
0x87: {  	_ =	shalt  }
.Lfunc_end0:
.L_simem_size_0:
called_computation_lowered:
.L_overlay_start_0:
0x88: {  	s2 =	sld [smem:$0x3FD9]  }
0x89: {  	s3 =	sld [smem:$0x3FFE];
	_ =	sdelay $0x1  }
0x8a: {  	s1 =	srdreg.scid  }
0x8b: {  	s0 =	sand.u32 $0x1, s1  }
0x8c: {  	s17 =	sshll.u32 s0, $0xA;
	s2 =	sadd.s32 s3, s2  }
0x8d: {  	s2 =	sadd.s32 s2, s17  }
0x8e: {  	[smem:$0x3FC6] =	sst s2  }
0x8f: {  	_ = 	snop  }
0x90: {  	s2 =	sld [smem:$0x3FC8]  }
0x91: {  	s18 =	sld [smem:$0x3FD0];
	(tm) =	ssettm $0x1  }
0x92: {  	s4 =	sld [smem:$0x3FFB];
	_ =	sdelay $0x3  }
0x93: {  	_ =	strace s4  }
0x94: {  	s4 =	sld [smem:$0x3FFC];
	_ =	sdelay $0x3  }
0x95: {  	_ =	strace s4  }
0x96: {  	s4 =	sld [smem:$0x3FFD];
	_ =	sdelay $0x3  }
0x97: {  	_ =	strace s4  }
0x98: {  	_ =	strace $0x8FFFFFFF  }
0x99: {  	s19 =	sld [smem:$0x3FDB];
	_ =	sdelay $0x1  }
0x9a: {  	s5 =	simm.s32 $_scs_section_size  }
0x9b: {  	s6 =	simm.s32 $_size__tile_overlayer_lowered;
	s7 =	simm.s32 $_tile_overlayer_lowered  }
0x9c: {  	s22 =	simm.s32 $0x1BFF;
	s21 =	sshll.u32 s7, $0x1;
	s4 =	sadd.s32 s5, s19  }
0x9d: {  	s8 =	simm.s32 $0x0;
	s20 =	sshll.u32 s6, $0x1;
	s6 =	sadd.s32 s21, s4  }
0x9e: {  	[timem:s8], [sflag:s22] =	dma.local [hbm:s6], s20  }
0x9f: {  	_ =	swait.ge [sflag:s22], s20  }
0xa0: {  	s5 =	ssub.s32 $0x0, s20;
	[sflag:s22] =	ssyncset.done $0x0  }
0xa1: {  	[sflag:s22] =	ssyncadd.s32 s5;
	_ =	sdelay $0x1  }
0xa2: {  	s23 =	simm.s32 $0x1B8B  }
0xa3: {  	_ =	swait.ge [sflag:s23], $0x1  }
0xa4: {  	[sflag:s23] =	ssyncset.done $0x0  }
0xa5: {  	s25 =	simm.s32 $0x1B8E;
	s24 =	sld [smem:$0x3FFE];
	[sflag:s23] =	ssyncadd.s32 $0xFFFFFFFF  }
0xa6: {  	s26 =	simm.s32 $execute0_lowered;
	[smem:$0x3FD2] =	sst s25  }
0xa7: {  	s6 =	sshll.u32 s26, $0x1;
	_ =	strace $0x80000046;
	[dreg:$0x1] =	wrdreg $0xFFFFFFFF  }
0xa8: {  	s28 =	simm.s32 $_size_execute0_lowered;
	s4 =	sadd.s32 s4, s6;
	[dreg:$0x0] =	wrdreg $0x0  }
0xa9: {  	s6 =	sshll.u32 s28, $0x1;
	[dreg:$0x2] =	wrdreg s4  }
0xaa: {  	[dreg:$0x3] =	wrdreg s6  }
0xab: {  	[dreg:$0x4] =	wrdreg $0xC0  }
0xac: {  	_ =	task [dreg:s8], $0x5FFFF  }
0xad: {  	[dreg:$0x1] =	wrdreg $0xFFFFFFFF  }
0xae: {  	[dreg:$0x0] =	wrdreg $0x60  }
0xaf: {  	[dreg:$0x2] =	wrdreg s2  }
0xb0: {  	[dreg:$0x3] =	wrdreg s18  }
0xb1: {  	[dreg:$0x4] =	wrdreg s24  }
0xb2: {  	[dreg:$0x5] =	wrdreg $0x9  }
0xb3: {  	_ =	task.clear_ibuf [dreg:s8], $0x6FFFF;
	_ =	strace $0x90000046  }
0xb4: {  	s29 =	simm.s32 $0x9;
	_ =	strace $0x80000048  }
0xb5: {  	_ =	swait.ge [sflag:s29], $0x1  }
0xb6: {  	[sflag:s29] =	ssyncadd.s32 $0xFFFFFFFF  }
0xb7: {  	_ =	strace $0x90000048  }
0xb8: {  	_ =	sfence  }
0xb9: {  	s30 =	sld [smem:$0x0];
	_ =	sdelay $0x2  }
0xba: {  	s31 =	sshll.u32 s1, $0xD;
	s1 =	sshrl.u32 s1, $0x2  }
0xbb: {  	s3 =	sand.u32 $0x4000, s31;
	s1 =	sadd.s32 s1, s30  }
0xbc: {  	s0 =	sor.u32 s3, s0;
	s1 =	sshll.u32 s1, $0x11  }
0xbd: {  	s0 =	sor.u32 s1, s0  }
0xbe: {  	s0 =	sadd.s32 $0x8F2B, s0  }
0xbf: {  	[sflag:s0] =	ssyncadd.remote.s32 $0x1  }
0xc0: {  	_ =	sfence.sel $0xFFFF  }
0xc1: {  	[dreg:$0x0] =	wrdreg $0xFFFFFFFF;
	(pc) =	sbr.abs _section_cstart, $3  }
0xc2: {  	[dreg:$0x1] =	wrdreg $0xFFFFFFFF  }
0xc3: {  	_ =	task.clear_ibuf [dreg:s8], $0x2FFFF;
	_ =	strace $0x9FFFFFFF  }
0xc4: {  	(tm) =	ssettm $0x7FFFFFFF  }
0xc5: {  	_ =	shalt  }
tec
execute0_lowered:
.L_overlay_start_1:
0x0: {  	(tag) =	ssettag $0x1  }
0x1: {  	s1 =	rddreg [dreg:$0x0]  }
0x2: {  	s0 =	rddreg [dreg:$0x1]  }
0x3: {  	s2 =	rddreg [dreg:$0x2]  }
0x4: {  	s4 =	srdreg.scid;
	s11 =	stileid.u32  }
0x5: {  	s3 =	simm.s32 $0x0;
	s12 =	simm.s32 $0x8000;
	s14 =	simm.s32 $0xB400  }
0x6: {  	s16 =	simm.s32 $0xE800;
	s17 =	simm.s32 $0x1;
	s18 =	simm.s32 $0x9900  }
0x7: {  	s28 =	simm.s32 $0x6;
	s29 =	simm.s32 $0x7;
	s30 =	simm.s32 $0x8  }
0x8: {  	s31 =	simm.s32 $0x0;
	s7 =	sand.u32 $0x1, s4;
	s19 =	smul.u32 $0x700000, s11  }
0x9: {  	[smem:$0x7FF] =	sst s3;
	s2 =	sadd.s32 $0x400, s2;
	s24 =	smul.u32 $0xE0000, s11  }
0xa: {  	s8 =	sshll.u32 s11, $0xD;
	s11 =	simm.s32 $0x64;
	s5 =	smul.u32 $0x380000, s7  }
0xb: {  	_ =	strace $0x80000047;
	s6 =	ssub.s32 $0x2, s7;
	s9 =	sshll.u32 s7, $0xC  }
0xc: {  	s7 =	smul.u32 $0x70000, s7;
	s20 =	sshrl.u32 s6, $0x1;
	s21 =	sor.u32 s9, s8  }
0xd: {  	s10 =	sadd.s32 s5, s19;
	s6 =	ssub.s32 s6, s20;
	s0 =	sadd.s32 s0, s21  }
0xe: {  	s19 =	simm.s32 $0x11C00;
	s20 =	simm.s32 $0x2;
	s21 =	simm.s32 $0xCD00  }
0xf: {  	s22 =	sor.u32 $0x8C00, s10;
	[dreg:$0x4] =	wrdreg s0;
	s4 =	smax.u32 s6, $0x1  }
0x10: {  	s25 =	sor.u32 $0x5400, s10;
	s26 =	sor.u32 $0xC400, s10;
	s0 =	sadd.s32 s24, s2  }
.Ltmp0:
0x11: {  	s10 =	simm.s32 $0x9;
	s24 =	simm.s32 $0x4;
	(pc) =	sbr.rel .LBB2_1-.Ltmp0, $4  }
0x12: {  	s23 =	sshrl.u32 s22, $0x3;
	[dreg:$0x5] =	wrdreg s4;
	s8 =	sshrl.u32 s25, $0x3  }
0x13: {  	s9 =	sshrl.u32 s26, $0x3;
	s7 =	sadd.s32 s7, s0;
	s22 =	simm.s32 $0x3  }
0x14: {  	s25 =	simm.s32 $0x13500;
	s26 =	simm.s32 $0x5;
	s6 =	sadd.s32 s23, s2  }
0x15: {  	s8 =	sadd.s32 s8, s2;
	s9 =	sadd.s32 s9, s2;
	s23 =	simm.s32 $0x10100  }
.LBB2_4:
0x16: {  	_ =	swait.ge [sflag:s26], $0x1900  }
0x17: {  	[sflag:s26] =	ssyncset.done $0x0  }
0x18: {  	[sflag:s26] =	ssyncadd.s32 $0xFFFFE700  }
0x19: {  	_ =	swait.ge [sflag:s26], $0x1900  }
0x1a: {  	[sflag:s26] =	ssyncset.done $0x0  }
0x1b: {  	[sflag:s26] =	ssyncadd.s32 $0xFFFFE700  }
0x1c: {  	_ =	swait.ge [sflag:s28], $0x1900  }
0x1d: {  	[sflag:s28] =	ssyncset.done $0x0  }
0x1e: {  	[sflag:s28] =	ssyncadd.s32 $0xFFFFE700  }
0x1f: {  	_ =	swait.ge [sflag:s28], $0x1900  }
0x20: {  	[sflag:s28] =	ssyncset.done $0x0  }
0x21: {  	[sflag:s28] =	ssyncadd.s32 $0xFFFFE700  }
0x22: {  	_ =	swait.ge [sflag:s29], $0x1900  }
0x23: {  	[sflag:s29] =	ssyncset.done $0x0  }
0x24: {  	[sflag:s29] =	ssyncadd.s32 $0xFFFFE700  }
0x25: {  	_ =	swait.ge [sflag:s29], $0x1900  }
0x26: {  	[sflag:s29] =	ssyncset.done $0x0  }
0x27: {  	[sflag:s29] =	ssyncadd.s32 $0xFFFFE700  }
0x28: {  	_ =	swait.ge [sflag:s30], $0x1900  }
0x29: {  	[sflag:s30] =	ssyncset.done $0x0  }
0x2a: {  	[sflag:s30] =	ssyncadd.s32 $0xFFFFE700  }
0x2b: {  	_ =	swait.ge [sflag:s30], $0x1900  }
0x2c: {  	s31 =	sadd.s32 $0x1, s31;
	s0 =	rddreg [dreg:$0x5]  }
0x2d: {  	p0 =	sne.s32 s31, s0  }
.Ltmp1:
0x2e: {  	_ = 	snop;
	(pc) =	sbr.rel @!p0 .LBB2_5-.Ltmp1, $3  }
0x2f: {  	_ =	sdelay $0x1  }
0x30: {  	[sflag:s30] =	ssyncset.done $0x0  }
0x31: {  	[sflag:s30] =	ssyncadd.s32 $0xFFFFE700  }
.LBB2_1:
0x32: {  	s0 =	rddreg [dreg:$0x4]  }
0x33: {  	[tilespmem:s3], [sflag:$0x9] =	stream.linear.gather [hbm4b:s0+s3], $0x8000, $0x38;
	[tilespmem:$0x15000] =	vst v63  }
0x34: {  	_ =	swait.ge [sflag:s10], $0x8000  }
0x35: {  	[sflag:s10] =	ssyncset.done $0x0  }
0x36: {  	[sflag:s10] =	ssyncadd.s32 $0xFFFF8000  }
0x37: {  	[tilespmem:s12], [sflag:$0x1] =	stream.indirect.gather [hbm4b:s1+s11], $0x80, s3, s11, $0xb8;
	[tilespmem:$0x15000] =	vst v63  }
0x38: {  	s13 =	simm.s32 $0x80  }
0x39: {  	[tilespmem:s14], [sflag:$0x2] =	stream.indirect.gather [hbm4b:s1+s11], $0x80, s13, s11, $0xb8;
	[tilespmem:$0x15000] =	vst v63  }
0x3a: {  	s15 =	simm.s32 $0x100;
	s2 =	simm.s32 $0x0;
	s0 =	simm.s32 $0x300  }
0x3b: {  	[tilespmem:s16], [sflag:$0x3] =	stream.indirect.gather [hbm4b:s1+s11], $0x80, s15, s11, $0xb8;
	[tilespmem:$0x15000] =	vst v63  }
.LBB2_2:
0x3c: {  	_ =	swait.ge [sflag:s17], $0x3200  }
0x3d: {  	[sflag:s17] =	ssyncset.done $0x0  }
0x3e: {  	s13 =	sadd.s32 s2, s7;
	[sflag:s17] =	ssyncadd.s32 $0xFFFFCE00  }
0x3f: {  	[hbm4b:s13+s3] =	stream.linear.scatter [tilespmem:s12], [sflag:$0x5], $0x1900, $0x38;
	[tilespmem:$0x15000] =	vst v63  }
0x40: {  	p0 =	seq.s32 s2, $0x0;
	s15 =	sadd.s32 $0x380, s13  }
0x41: {  	[hbm4b:s15+s3] =	stream.linear.scatter [tilespmem:s18], [sflag:$0x5], $0x1900, $0x38;
	[tilespmem:$0x15000] =	vst v63  }
0x42: {  	s15 =	simm.s32 @!p0 $0x8  }
0x43: {  	_ =	swait.ge @!p0 [sflag:s15], $0x1900  }
0x44: {  	[sflag:s15] =	ssyncset.done @!p0 $0x0  }
0x45: {  	[sflag:s15] =	ssyncadd.s32 @!p0 $0xFFFFE700  }
0x46: {  	_ =	swait.ge @!p0 [sflag:s15], $0x1900  }
0x47: {  	[sflag:s15] =	ssyncset.done @!p0 $0x0  }
0x48: {  	s5 =	sadd.s32 $0xFFFFFE80, s0;
	[sflag:s15] =	ssyncadd.s32 @!p0 $0xFFFFE700  }
0x49: {  	[tilespmem:s19], [sflag:$0x4] =	stream.indirect.gather [hbm4b:s1+s11], $0x80, s5, s11, $0xb8;
	[tilespmem:$0x15000] =	vst v63  }
0x4a: {  	_ =	swait.ge [sflag:s20], $0x3200  }
0x4b: {  	[sflag:s20] =	ssyncset.done $0x0  }
0x4c: {  	s4 =	sadd.s32 $0x700, s13;
	p0 =	seq.s32 s2, $0x6E400;
	[sflag:s20] =	ssyncadd.s32 $0xFFFFCE00  }
0x4d: {  	[hbm4b:s4+s3] =	stream.linear.scatter [tilespmem:s14], [sflag:$0x6], $0x1900, $0x38;
	[tilespmem:$0x15000] =	vst v63  }
0x4e: {  	s5 =	sadd.s32 s2, s8;
	s15 =	simm.s32 @!p0 $0x5  }
0x4f: {  	[hbm4b:s5+s3] =	stream.linear.scatter [tilespmem:s21], [sflag:$0x6], $0x1900, $0x38;
	[tilespmem:$0x15000] =	vst v63  }
0x50: {  	_ =	swait.ge @!p0 [sflag:s15], $0x1900  }
0x51: {  	[sflag:s15] =	ssyncset.done @!p0 $0x0  }
0x52: {  	[sflag:s15] =	ssyncadd.s32 @!p0 $0xFFFFE700  }
0x53: {  	_ =	swait.ge @!p0 [sflag:s15], $0x1900  }
0x54: {  	s4 =	simm.s32 @!p0 $0x64;
	[sflag:s15] =	ssyncset.done @!p0 $0x0  }
0x55: {  	s5 =	simm.s32 @!p0 $0x8000;
	[sflag:s15] =	ssyncadd.s32 @!p0 $0xFFFFE700;
	s15 =	sadd.s32 @!p0 $0xFFFFFF00, s0  }
0x56: {  	[tilespmem:s5], [sflag:$0x1] =	stream.indirect.gather @!p0 [hbm4b:s1+s4], $0x80, s15, s4, $0xb8;
	[tilespmem:$0x15000] =	vst v63  }
0x57: {  	_ =	swait.ge [sflag:s22], $0x3200  }
0x58: {  	[sflag:s22] =	ssyncset.done $0x0  }
0x59: {  	s15 =	sadd.s32 $0xE00, s13;
	[sflag:s22] =	ssyncadd.s32 $0xFFFFCE00  }
0x5a: {  	[hbm4b:s15+s3] =	stream.linear.scatter [tilespmem:s16], [sflag:$0x7], $0x1900, $0x38;
	[tilespmem:$0x15000] =	vst v63  }
0x5b: {  	s5 =	simm.s32 @!p0 $0x6;
	s15 =	sadd.s32 s2, s6  }
0x5c: {  	[hbm4b:s15+s3] =	stream.linear.scatter [tilespmem:s23], [sflag:$0x7], $0x1900, $0x38;
	[tilespmem:$0x15000] =	vst v63  }
0x5d: {  	_ =	swait.ge @!p0 [sflag:s5], $0x1900  }
0x5e: {  	[sflag:s5] =	ssyncset.done @!p0 $0x0  }
0x5f: {  	[sflag:s5] =	ssyncadd.s32 @!p0 $0xFFFFE700  }
0x60: {  	_ =	swait.ge @!p0 [sflag:s5], $0x1900  }
0x61: {  	[sflag:s5] =	ssyncset.done @!p0 $0x0  }
0x62: {  	s15 =	simm.s32 @!p0 $0xB400;
	[sflag:s5] =	ssyncadd.s32 @!p0 $0xFFFFE700;
	s5 =	sadd.s32 @!p0 $0xFFFFFF80, s0  }
0x63: {  	[tilespmem:s15], [sflag:$0x2] =	stream.indirect.gather @!p0 [hbm4b:s1+s4], $0x80, s5, s4, $0xb8;
	[tilespmem:$0x15000] =	vst v63  }
0x64: {  	_ =	swait.ge [sflag:s24], $0x3200  }
.Ltmp2:
0x65: {  	[sflag:s24] =	ssyncset.done $0x0;
	(pc) =	sbr.rel @p0 .LBB2_4-.Ltmp2, $4  }
0x66: {  	s13 =	sadd.s32 $0x1500, s13;
	[sflag:s24] =	ssyncadd.s32 $0xFFFFCE00  }
0x67: {  	[hbm4b:s13+s3] =	stream.linear.scatter [tilespmem:s19], [sflag:$0x8], $0x1900, $0x38;
	[tilespmem:$0x15000] =	vst v63  }
0x68: {  	s15 =	sadd.s32 s2, s9  }
0x69: {  	[hbm4b:s15+s3] =	stream.linear.scatter [tilespmem:s25], [sflag:$0x8], $0x1900, $0x38;
	[tilespmem:$0x15000] =	vst v63  }
0x6a: {  	_ =	swait.ge [sflag:s29], $0x1900  }
0x6b: {  	[sflag:s29] =	ssyncset.done $0x0  }
0x6c: {  	[sflag:s29] =	ssyncadd.s32 $0xFFFFE700  }
.Ltmp3:
0x6d: {  	_ =	swait.ge [sflag:s29], $0x1900;
	(pc) =	sbr.rel .LBB2_2-.Ltmp3, $4  }
0x6e: {  	[sflag:s29] =	ssyncset.done $0x0  }
0x6f: {  	[sflag:s29] =	ssyncadd.s32 $0xFFFFE700  }
0x70: {  	[tilespmem:s16], [sflag:$0x3] =	stream.indirect.gather [hbm4b:s1+s11], $0x80, s0, s11, $0xb8;
	[tilespmem:$0x15000] =	vst v63  }
0x71: {  	s2 =	sadd.s32 $0x1C00, s2;
	s0 =	sadd.s32 $0x200, s0  }
.LBB2_5:
0x72: {  	_ =	sfence.sel $0x180000  }
0x73: {  	[bflag:$0x0] =	sbarrier.arrive $0xFFFF  }
0x74: {  	_ =	strace $0x90000047  }
0x75: {  	s0 =	stileid.u32;
	[bflag:$0x2] =	sbarrier.arrive $0xFFFF  }
0x76: {  	p0 =	sne.s32 s0, $0x0;
	s0 =	rddreg [dreg:$0x3]  }
0x77: {  	s0 =	sadd.s32 @!p0 $0x100000, s0  }
0x78: {  	[sflag:s0] =	ssyncadd.tile.s32 @!p0 $0x1;
	_ =	shalt  }
.Lfunc_end2:
_tile_overlayer_lowered:
.L_overlay_start_2:
0x79: {  	(tag) =	ssettag $0x2  }
0x7a: {  	s0 =	rddreg [dreg:$0x0];
	s2 =	stileid.u32  }
0x7b: {  	s1 =	rddreg [dreg:$0x1];
	p0 =	sne.s32 s2, $0x0  }
0x7c: {  	s3 =	rddreg [dreg:$0x2];
	[bflag:$0x3] =	sbarrier.arrive $0xFFFF;
	s2 =	simm.s32 @!p0 $0x1C09  }
0x7d: {  	[timem:s3], [sflag:s2] =	dma.local @!p0 [hbm:s0], s1  }
0x7e: {  	s0 =	simm.s32 @!p0 $0x9  }
0x7f: {  	_ =	swait.ge @!p0 [sflag:s0], s1  }
0x80: {  	s1 =	ssub.s32 @!p0 $0x0, s1;
	[sflag:s0] =	ssyncset.done @!p0 $0x0  }
0x81: {  	[sflag:s0] =	ssyncadd.s32 @!p0 s1  }
0x82: {  	[bflag:$0x3] =	sbarrier.arrive $0xFFFF  }
0x83: {  	_ =	shalt  }

</sc_bundles>
